<compile_context>
chip_gen: v7x
topology: tpu7x:2x2x1
jax: 0.10.2.dev20260603
libtpu: 0.0.44.dev20260713+nightly
codegen_flags: <defaults>
</compile_context>

<pallas_src>
import functools

import jax
import jax.numpy as jnp
from jax import lax
from jax.experimental import pallas as pl
from jax.experimental.pallas import tpu as pltpu
from jax.experimental.pallas import tpu_sc as plsc

_B = 16384
_D = 64
_NC = 2
_NS = 16
_L = 16
_NW = _NC * _NS
_BPW = _B // _NW
_NB = 256
_NBLK = _BPW // _NB


def _sc_partials(features, labels, centers):
    mesh = plsc.VectorSubcoreMesh(core_axis_name="c", subcore_axis_name="s")

    @functools.partial(
        pl.kernel,
        mesh=mesh,
        compiler_params=pltpu.CompilerParams(skip_device_barrier=True),
        out_type=jax.ShapeDtypeStruct((_NW, _L), jnp.float32),
        scratch_types=[
            pltpu.VMEM((_BPW,), jnp.int32),
            pltpu.VMEM((_NB, _D), jnp.float32),
            pltpu.VMEM((_NB, _D), jnp.float32),
            pltpu.VMEM((_NB, _D), jnp.float32),
            pltpu.VMEM((_L,), jnp.float32),
            pltpu.SemaphoreType.DMA,
            pltpu.SemaphoreType.DMA,
            pltpu.SemaphoreType.DMA,
        ],
    )
    def k(feat_hbm, idx_hbm, tab_hbm, out_hbm, idx_v, rows_a, rows_b,
          feat_v, acc_v, sem_ga, sem_gb, sem_f):
        wid = lax.axis_index("s") * _NC + lax.axis_index("c")
        base = wid * _BPW
        pltpu.sync_copy(idx_hbm.at[pl.ds(base, _BPW)], idx_v)

        row_bufs = (rows_a, rows_b)
        row_sems = (sem_ga, sem_gb)

        def issue_rows(b):
            dst = row_bufs[b % 2]
            sem = row_sems[b % 2]

            @pl.loop(0, _NB // _L)
            def _(g):
                lv = idx_v[pl.ds(b * _NB + g * _L, _L)]
                for j in range(_L):
                    pltpu.async_copy(tab_hbm.at[pl.ds(lv[j], 1)],
                                     dst.at[pl.ds(g * _L + j, 1)], sem)

        issue_rows(0)

        zero = jnp.zeros((_L,), jnp.float32)
        accs = (zero,) * (_D // _L)
        for b in range(_NBLK):
            rows_v = row_bufs[b % 2]

            def body(r, accs, rows_v=rows_v):
                new = []
                for j in range(_D // _L):
                    f = feat_v[r, pl.ds(j * _L, _L)]
                    c = rows_v[r, pl.ds(j * _L, _L)]
                    d = f - c
                    new.append(accs[j] + d * d)
                return tuple(new)

            feat_cp = pltpu.async_copy(
                feat_hbm.at[pl.ds(base + b * _NB, _NB)], feat_v, sem_f)
            if b + 1 < _NBLK:
                issue_rows(b + 1)
            pltpu.make_async_copy(tab_hbm.at[pl.ds(0, _NB)], rows_v,
                                  row_sems[b % 2]).wait()
            feat_cp.wait()
            accs = lax.fori_loop(0, _NB, body, accs)

        inv_n = 1.0 / (_B * _D)
        acc_v[...] = (accs[0] + accs[1] + accs[2] + accs[3]) * inv_n
        pltpu.sync_copy(acc_v, out_hbm.at[wid])

    return k(features, labels, centers)


def kernel(features, labels, centers):
    labels = labels.astype(jnp.int32)
    partials = _sc_partials(features, labels, centers)
    return jnp.sum(partials)

# --- scband reference (transcript-rebuilt; emitter-appended) ---
"""Pipeline reference for scband-center-loss-27470610825834 (READ-ONLY COPY).

The authoritative reference and input builder live on the scoring server;
editing this copy changes nothing except your own understanding.
"""

import jax, jax.numpy as jnp
import numpy as np

NUM_CLASSES = 100000
FEATURE_DIM = 64
BATCH = 16384
LAMBDA_C = 1.0

def setup_inputs(seed: int = 0) -> dict:
    key = jax.random.key(seed)
    k1, k2, k3 = jax.random.split(key, 3)
    features = jax.random.normal(k1, (BATCH, FEATURE_DIM), dtype=jnp.float32)
    labels = jax.random.randint(k2, (BATCH,), 0, NUM_CLASSES, dtype=jnp.int64)
    centers = jax.random.normal(k3, (NUM_CLASSES, FEATURE_DIM), dtype=jnp.float32)
    return {"features": features, "labels": labels, "centers": centers}

def reference(features, labels, centers):
    # centers_batch = self.centers[labels]  (gather over large table -> memory-bound)
    centers_batch = jnp.take(centers, labels, axis=0)
    # F.mse_loss(features, centers_batch) with default 'mean' reduction
    center_loss = jnp.mean((features - centers_batch) ** 2)
    return LAMBDA_C * center_loss

if __name__ == "__main__":
    import jax
    _d = setup_inputs()
    print(jax.jit(kernel)(*tuple(_d.values())))

</pallas_src>

<mosaic_0001>
#map = affine_map<(d0, d1) -> (0, 0)>
#map1 = affine_map<(d0, d1) -> (0)>
module attributes {stable_mosaic.version = 14 : i64} {
  func.func @k(%arg0: i32, %arg1: i32, %arg2: memref<16384x64xf32, #tpu.memory_space<hbm>>, %arg3: memref<16384xi32, #tpu.memory_space<hbm>>, %arg4: memref<100000x64xf32, #tpu.memory_space<hbm>>, %arg5: memref<32x16xf32, #tpu.memory_space<hbm>>, %arg6: memref<512xi32, #tpu.memory_space<vmem>>, %arg7: memref<256x64xf32, #tpu.memory_space<vmem>>, %arg8: memref<256x64xf32, #tpu.memory_space<vmem>>, %arg9: memref<256x64xf32, #tpu.memory_space<vmem>>, %arg10: memref<16xf32, #tpu.memory_space<vmem>>, %arg11: memref<!tpu.dma_semaphore, #tpu.memory_space<semaphore_mem>>, %arg12: memref<!tpu.dma_semaphore, #tpu.memory_space<semaphore_mem>>, %arg13: memref<!tpu.dma_semaphore, #tpu.memory_space<semaphore_mem>>) attributes {dimension_semantics = [#tpu.dimension_semantics<core_parallel>, #tpu.dimension_semantics<subcore_parallel>], iteration_bounds = array<i64: 2, 16>, scalar_prefetch = 0 : i64, scratch_operands = 8 : i64, tpu.core_type = #tpu.core_type<sc_vector_subcore>, window_params = [{transform_indices = #map}, {transform_indices = #map1}, {transform_indices = #map}, {transform_indices = #map}]} {
    %mul3A = arith.constant 2 : i32
    %mul3A_0 = arith.muli %arg1, %mul3A : i32
    %add3A = arith.addi %mul3A_0, %arg0 : i32
    %mul3A_1 = arith.constant 512 : i32
    %mul3A_2 = arith.muli %add3A, %mul3A_1 : i32
    "tpu.region"() ({
      %run_scoped3A = tpu.sem_alloc : memref<!tpu.dma_semaphore, #tpu.memory_space<semaphore_mem>>
      %dma_start3A_64 = tpu.memref_slice %arg3[%mul3A_2] : memref<16384xi32, #tpu.memory_space<hbm>> -> memref<512xi32, #tpu.memory_space<hbm>>
      %dma_start3A_65 = tpu.memref_slice %arg3[%mul3A_2] : memref<16384xi32, #tpu.memory_space<hbm>> -> memref<512xi32, #tpu.memory_space<hbm>>
      tpu.enqueue_dma source(%dma_start3A_65 : memref<512xi32, #tpu.memory_space<hbm>>) target(%arg6 : memref<512xi32, #tpu.memory_space<vmem>>) target_semaphore(%run_scoped3A : memref<!tpu.dma_semaphore, #tpu.memory_space<semaphore_mem>>)
      %dma_wait3A_66 = tpu.memref_slice %arg3[%mul3A_2] : memref<16384xi32, #tpu.memory_space<hbm>> -> memref<512xi32, #tpu.memory_space<hbm>>
      %dma_wait3A_67 = tpu.memref_slice %arg3[%mul3A_2] : memref<16384xi32, #tpu.memory_space<hbm>> -> memref<512xi32, #tpu.memory_space<hbm>>
      tpu.wait_dma2 semaphore(%run_scoped3A : memref<!tpu.dma_semaphore, #tpu.memory_space<semaphore_mem>>) src(%dma_wait3A_67 : memref<512xi32, #tpu.memory_space<hbm>>) dst(%arg6 : memref<512xi32, #tpu.memory_space<vmem>>)
      tpu.yield
    }) : () -> ()
    %scan3A = arith.constant 0 : i32
    %scan3A_3 = arith.constant 16 : i32
    %scan3A_4 = arith.addi %scan3A, %scan3A_3 : i32
    %scan3A_5 = arith.constant 1 : i32
    scf.for %scan3A_64 = %scan3A to %scan3A_4 step %scan3A_5  : i32 {
      %mul3A_65 = arith.constant 1 : i32
      %mul3A_66 = arith.muli %scan3A_64, %mul3A_65 : i32
      %add3A_67 = arith.constant 0 : i32
      %add3A_68 = arith.addi %add3A_67, %mul3A_66 : i32
      %mul3A_69 = arith.constant 16 : i32
      %mul3A_70 = arith.muli %add3A_68, %mul3A_69 : i32
      %add3A_71 = arith.constant 0 : i32
      %add3A_72 = arith.addi %add3A_71, %mul3A_70 : i32
      %get3A = arith.index_cast %add3A_72 : i32 to index
      %get3A_73 = tpu.vector_load %arg6[%get3A] {strides = array<i32>} : memref<512xi32, #tpu.memory_space<vmem>>, vector<16xi32>,
      %get3A_74 = vector.shape_cast %get3A_73 : vector<16xi32> to vector<16xi32>
      %slice3A = vector.extract_strided_slice %get3A_74 {offsets = [0], sizes = [1], strides = [1]} : vector<16xi32> to vector<1xi32>
      %squeeze3A = vector.extract %slice3A[0] : i32 from vector<1xi32>
      %mul3A_75 = arith.constant 16 : i32
      %mul3A_76 = arith.muli %add3A_68, %mul3A_75 : i32
      %add3A_77 = arith.constant 0 : i32
      %add3A_78 = arith.addi %mul3A_76, %add3A_77 : i32
      %dma_start3A_79 = arith.constant 0 : i32
      %dma_start3A_80 = tpu.memref_slice %arg7[%add3A_78, %dma_start3A_79] : memref<256x64xf32, #tpu.memory_space<vmem>> -> memref<1x64xf32, #tpu.memory_space<vmem>>
      %dma_start3A_81 = arith.constant 0 : i32
      %dma_start3A_82 = tpu.memref_slice %arg4[%squeeze3A, %dma_start3A_81] : memref<100000x64xf32, #tpu.memory_space<hbm>> -> memref<1x64xf32, #tpu.memory_space<hbm>>
      %dma_start3A_83 = arith.constant 0 : i32
      %dma_start3A_84 = tpu.memref_slice %arg7[%add3A_78, %dma_start3A_83] : memref<256x64xf32, #tpu.memory_space<vmem>> -> memref<1x64xf32, #tpu.memory_space<vmem>>
      %dma_start3A_85 = arith.constant 0 : i32
      %dma_start3A_86 = tpu.memref_slice %arg4[%squeeze3A, %dma_start3A_85] : memref<100000x64xf32, #tpu.memory_space<hbm>> -> memref<1x64xf32, #tpu.memory_space<hbm>>
      tpu.enqueue_dma source(%dma_start3A_86 : memref<1x64xf32, #tpu.memory_space<hbm>>) target(%dma_start3A_84 : memref<1x64xf32, #tpu.memory_space<vmem>>) target_semaphore(%arg11 : memref<!tpu.dma_semaphore, #tpu.memory_space<semaphore_mem>>)
      %slice3A_87 = vector.extract_strided_slice %get3A_74 {offsets = [1], sizes = [1], strides = [1]} : vector<16xi32> to vector<1xi32>
      %squeeze3A_88 = vector.extract %slice3A_87[0] : i32 from vector<1xi32>
      %mul3A_89 = arith.constant 16 : i32
      %mul3A_90 = arith.muli %add3A_68, %mul3A_89 : i32
      %add3A_91 = arith.constant 1 : i32
      %add3A_92 = arith.addi %mul3A_90, %add3A_91 : i32
      %dma_start3A_93 = arith.constant 0 : i32
      %dma_start3A_94 = tpu.memref_slice %arg7[%add3A_92, %dma_start3A_93] : memref<256x64xf32, #tpu.memory_space<vmem>> -> memref<1x64xf32, #tpu.memory_space<vmem>>
      %dma_start3A_95 = arith.constant 0 : i32
      %dma_start3A_96 = tpu.memref_slice %arg4[%squeeze3A_88, %dma_start3A_95] : memref<100000x64xf32, #tpu.memory_space<hbm>> -> memref<1x64xf32, #tpu.memory_space<hbm>>
      %dma_start3A_97 = arith.constant 0 : i32
      %dma_start3A_98 = tpu.memref_slice %arg7[%add3A_92, %dma_start3A_97] : memref<256x64xf32, #tpu.memory_space<vmem>> -> memref<1x64xf32, #tpu.memory_space<vmem>>
      %dma_start3A_99 = arith.constant 0 : i32
      %dma_start3A_100 = tpu.memref_slice %arg4[%squeeze3A_88, %dma_start3A_99] : memref<100000x64xf32, #tpu.memory_space<hbm>> -> memref<1x64xf32, #tpu.memory_space<hbm>>
      tpu.enqueue_dma source(%dma_start3A_100 : memref<1x64xf32, #tpu.memory_space<hbm>>) target(%dma_start3A_98 : memref<1x64xf32, #tpu.memory_space<vmem>>) target_semaphore(%arg11 : memref<!tpu.dma_semaphore, #tpu.memory_space<semaphore_mem>>)
      %slice3A_101 = vector.extract_strided_slice %get3A_74 {offsets = [2], sizes = [1], strides = [1]} : vector<16xi32> to vector<1xi32>
      %squeeze3A_102 = vector.extract %slice3A_101[0] : i32 from vector<1xi32>
      %mul3A_103 = arith.constant 16 : i32
      %mul3A_104 = arith.muli %add3A_68, %mul3A_103 : i32
      %add3A_105 = arith.constant 2 : i32
      %add3A_106 = arith.addi %mul3A_104, %add3A_105 : i32
      %dma_start3A_107 = arith.constant 0 : i32
      %dma_start3A_108 = tpu.memref_slice %arg7[%add3A_106, %dma_start3A_107] : memref<256x64xf32, #tpu.memory_space<vmem>> -> memref<1x64xf32, #tpu.memory_space<vmem>>
      %dma_start3A_109 = arith.constant 0 : i32
      %dma_start3A_110 = tpu.memref_slice %arg4[%squeeze3A_102, %dma_start3A_109] : memref<100000x64xf32, #tpu.memory_space<hbm>> -> memref<1x64xf32, #tpu.memory_space<hbm>>
      %dma_start3A_111 = arith.constant 0 : i32
      %dma_start3A_112 = tpu.memref_slice %arg7[%add3A_106, %dma_start3A_111] : memref<256x64xf32, #tpu.memory_space<vmem>> -> memref<1x64xf32, #tpu.memory_space<vmem>>
      %dma_start3A_113 = arith.constant 0 : i32
      %dma_start3A_114 = tpu.memref_slice %arg4[%squeeze3A_102, %dma_start3A_113] : memref<100000x64xf32, #tpu.memory_space<hbm>> -> memref<1x64xf32, #tpu.memory_space<hbm>>
      tpu.enqueue_dma source(%dma_start3A_114 : memref<1x64xf32, #tpu.memory_space<hbm>>) target(%dma_start3A_112 : memref<1x64xf32, #tpu.memory_space<vmem>>) target_semaphore(%arg11 : memref<!tpu.dma_semaphore, #tpu.memory_space<semaphore_mem>>)
      %slice3A_115 = vector.extract_strided_slice %get3A_74 {offsets = [3], sizes = [1], strides = [1]} : vector<16xi32> to vector<1xi32>
      %squeeze3A_116 = vector.extract %slice3A_115[0] : i32 from vector<1xi32>
      %mul3A_117 = arith.constant 16 : i32
      %mul3A_118 = arith.muli %add3A_68, %mul3A_117 : i32
      %add3A_119 = arith.constant 3 : i32
      %add3A_120 = arith.addi %mul3A_118, %add3A_119 : i32
      %dma_start3A_121 = arith.constant 0 : i32
      %dma_start3A_122 = tpu.memref_slice %arg7[%add3A_120, %dma_start3A_121] : memref<256x64xf32, #tpu.memory_space<vmem>> -> memref<1x64xf32, #tpu.memory_space<vmem>>
      %dma_start3A_123 = arith.constant 0 : i32
      %dma_start3A_124 = tpu.memref_slice %arg4[%squeeze3A_116, %dma_start3A_123] : memref<100000x64xf32, #tpu.memory_space<hbm>> -> memref<1x64xf32, #tpu.memory_space<hbm>>
      %dma_start3A_125 = arith.constant 0 : i32
      %dma_start3A_126 = tpu.memref_slice %arg7[%add3A_120, %dma_start3A_125] : memref<256x64xf32, #tpu.memory_space<vmem>> -> memref<1x64xf32, #tpu.memory_space<vmem>>
      %dma_start3A_127 = arith.constant 0 : i32
      %dma_start3A_128 = tpu.memref_slice %arg4[%squeeze3A_116, %dma_start3A_127] : memref<100000x64xf32, #tpu.memory_space<hbm>> -> memref<1x64xf32, #tpu.memory_space<hbm>>
      tpu.enqueue_dma source(%dma_start3A_128 : memref<1x64xf32, #tpu.memory_space<hbm>>) target(%dma_start3A_126 : memref<1x64xf32, #tpu.memory_space<vmem>>) target_semaphore(%arg11 : memref<!tpu.dma_semaphore, #tpu.memory_space<semaphore_mem>>)
      %slice3A_129 = vector.extract_strided_slice %get3A_74 {offsets = [4], sizes = [1], strides = [1]} : vector<16xi32> to vector<1xi32>
      %squeeze3A_130 = vector.extract %slice3A_129[0] : i32 from vector<1xi32>
      %mul3A_131 = arith.constant 16 : i32
      %mul3A_132 = arith.muli %add3A_68, %mul3A_131 : i32
      %add3A_133 = arith.constant 4 : i32
      %add3A_134 = arith.addi %mul3A_132, %add3A_133 : i32
      %dma_start3A_135 = arith.constant 0 : i32
      %dma_start3A_136 = tpu.memref_slice %arg7[%add3A_134, %dma_start3A_135] : memref<256x64xf32, #tpu.memory_space<vmem>> -> memref<1x64xf32, #tpu.memory_space<vmem>>
      %dma_start3A_137 = arith.constant 0 : i32
      %dma_start3A_138 = tpu.memref_slice %arg4[%squeeze3A_130, %dma_start3A_137] : memref<100000x64xf32, #tpu.memory_space<hbm>> -> memref<1x64xf32, #tpu.memory_space<hbm>>
      %dma_start3A_139 = arith.constant 0 : i32
      %dma_start3A_140 = tpu.memref_slice %arg7[%add3A_134, %dma_start3A_139] : memref<256x64xf32, #tpu.memory_space<vmem>> -> memref<1x64xf32, #tpu.memory_space<vmem>>
      %dma_start3A_141 = arith.constant 0 : i32
      %dma_start3A_142 = tpu.memref_slice %arg4[%squeeze3A_130, %dma_start3A_141] : memref<100000x64xf32, #tpu.memory_space<hbm>> -> memref<1x64xf32, #tpu.memory_space<hbm>>
      tpu.enqueue_dma source(%dma_start3A_142 : memref<1x64xf32, #tpu.memory_space<hbm>>) target(%dma_start3A_140 : memref<1x64xf32, #tpu.memory_space<vmem>>) target_semaphore(%arg11 : memref<!tpu.dma_semaphore, #tpu.memory_space<semaphore_mem>>)
      %slice3A_143 = vector.extract_strided_slice %get3A_74 {offsets = [5], sizes = [1], strides = [1]} : vector<16xi32> to vector<1xi32>
      %squeeze3A_144 = vector.extract %slice3A_143[0] : i32 from vector<1xi32>
      %mul3A_145 = arith.constant 16 : i32
      %mul3A_146 = arith.muli %add3A_68, %mul3A_145 : i32
      %add3A_147 = arith.constant 5 : i32
      %add3A_148 = arith.addi %mul3A_146, %add3A_147 : i32
      %dma_start3A_149 = arith.constant 0 : i32
      %dma_start3A_150 = tpu.memref_slice %arg7[%add3A_148, %dma_start3A_149] : memref<256x64xf32, #tpu.memory_space<vmem>> -> memref<1x64xf32, #tpu.memory_space<vmem>>
      %dma_start3A_151 = arith.constant 0 : i32
      %dma_start3A_152 = tpu.memref_slice %arg4[%squeeze3A_144, %dma_start3A_151] : memref<100000x64xf32, #tpu.memory_space<hbm>> -> memref<1x64xf32, #tpu.memory_space<hbm>>
      %dma_start3A_153 = arith.constant 0 : i32
      %dma_start3A_154 = tpu.memref_slice %arg7[%add3A_148, %dma_start3A_153] : memref<256x64xf32, #tpu.memory_space<vmem>> -> memref<1x64xf32, #tpu.memory_space<vmem>>
      %dma_start3A_155 = arith.constant 0 : i32
      %dma_start3A_156 = tpu.memref_slice %arg4[%squeeze3A_144, %dma_start3A_155] : memref<100000x64xf32, #tpu.memory_space<hbm>> -> memref<1x64xf32, #tpu.memory_space<hbm>>
      tpu.enqueue_dma source(%dma_start3A_156 : memref<1x64xf32, #tpu.memory_space<hbm>>) target(%dma_start3A_154 : memref<1x64xf32, #tpu.memory_space<vmem>>) target_semaphore(%arg11 : memref<!tpu.dma_semaphore, #tpu.memory_space<semaphore_mem>>)
      %slice3A_157 = vector.extract_strided_slice %get3A_74 {offsets = [6], sizes = [1], strides = [1]} : vector<16xi32> to vector<1xi32>
      %squeeze3A_158 = vector.extract %slice3A_157[0] : i32 from vector<1xi32>
      %mul3A_159 = arith.constant 16 : i32
      %mul3A_160 = arith.muli %add3A_68, %mul3A_159 : i32
      %add3A_161 = arith.constant 6 : i32
      %add3A_162 = arith.addi %mul3A_160, %add3A_161 : i32
      %dma_start3A_163 = arith.constant 0 : i32
      %dma_start3A_164 = tpu.memref_slice %arg7[%add3A_162, %dma_start3A_163] : memref<256x64xf32, #tpu.memory_space<vmem>> -> memref<1x64xf32, #tpu.memory_space<vmem>>
      %dma_start3A_165 = arith.constant 0 : i32
      %dma_start3A_166 = tpu.memref_slice %arg4[%squeeze3A_158, %dma_start3A_165] : memref<100000x64xf32, #tpu.memory_space<hbm>> -> memref<1x64xf32, #tpu.memory_space<hbm>>
      %dma_start3A_167 = arith.constant 0 : i32
      %dma_start3A_168 = tpu.memref_slice %arg7[%add3A_162, %dma_start3A_167] : memref<256x64xf32, #tpu.memory_space<vmem>> -> memref<1x64xf32, #tpu.memory_space<vmem>>
      %dma_start3A_169 = arith.constant 0 : i32
      %dma_start3A_170 = tpu.memref_slice %arg4[%squeeze3A_158, %dma_start3A_169] : memref<100000x64xf32, #tpu.memory_space<hbm>> -> memref<1x64xf32, #tpu.memory_space<hbm>>
      tpu.enqueue_dma source(%dma_start3A_170 : memref<1x64xf32, #tpu.memory_space<hbm>>) target(%dma_start3A_168 : memref<1x64xf32, #tpu.memory_space<vmem>>) target_semaphore(%arg11 : memref<!tpu.dma_semaphore, #tpu.memory_space<semaphore_mem>>)
      %slice3A_171 = vector.extract_strided_slice %get3A_74 {offsets = [7], sizes = [1], strides = [1]} : vector<16xi32> to vector<1xi32>
      %squeeze3A_172 = vector.extract %slice3A_171[0] : i32 from vector<1xi32>
      %mul3A_173 = arith.constant 16 : i32
      %mul3A_174 = arith.muli %add3A_68, %mul3A_173 : i32
      %add3A_175 = arith.constant 7 : i32
      %add3A_176 = arith.addi %mul3A_174, %add3A_175 : i32
      %dma_start3A_177 = arith.constant 0 : i32
      %dma_start3A_178 = tpu.memref_slice %arg7[%add3A_176, %dma_start3A_177] : memref<256x64xf32, #tpu.memory_space<vmem>> -> memref<1x64xf32, #tpu.memory_space<vmem>>
      %dma_start3A_179 = arith.constant 0 : i32
      %dma_start3A_180 = tpu.memref_slice %arg4[%squeeze3A_172, %dma_start3A_179] : memref<100000x64xf32, #tpu.memory_space<hbm>> -> memref<1x64xf32, #tpu.memory_space<hbm>>
      %dma_start3A_181 = arith.constant 0 : i32
      %dma_start3A_182 = tpu.memref_slice %arg7[%add3A_176, %dma_start3A_181] : memref<256x64xf32, #tpu.memory_space<vmem>> -> memref<1x64xf32, #tpu.memory_space<vmem>>
      %dma_start3A_183 = arith.constant 0 : i32
      %dma_start3A_184 = tpu.memref_slice %arg4[%squeeze3A_172, %dma_start3A_183] : memref<100000x64xf32, #tpu.memory_space<hbm>> -> memref<1x64xf32, #tpu.memory_space<hbm>>
      tpu.enqueue_dma source(%dma_start3A_184 : memref<1x64xf32, #tpu.memory_space<hbm>>) target(%dma_start3A_182 : memref<1x64xf32, #tpu.memory_space<vmem>>) target_semaphore(%arg11 : memref<!tpu.dma_semaphore, #tpu.memory_space<semaphore_mem>>)
      %slice3A_185 = vector.extract_strided_slice %get3A_74 {offsets = [8], sizes = [1], strides = [1]} : vector<16xi32> to vector<1xi32>
      %squeeze3A_186 = vector.extract %slice3A_185[0] : i32 from vector<1xi32>
      %mul3A_187 = arith.constant 16 : i32
      %mul3A_188 = arith.muli %add3A_68, %mul3A_187 : i32
      %add3A_189 = arith.constant 8 : i32
      %add3A_190 = arith.addi %mul3A_188, %add3A_189 : i32
      %dma_start3A_191 = arith.constant 0 : i32
      %dma_start3A_192 = tpu.memref_slice %arg7[%add3A_190, %dma_start3A_191] : memref<256x64xf32, #tpu.memory_space<vmem>> -> memref<1x64xf32, #tpu.memory_space<vmem>>
      %dma_start3A_193 = arith.constant 0 : i32
      %dma_start3A_194 = tpu.memref_slice %arg4[%squeeze3A_186, %dma_start3A_193] : memref<100000x64xf32, #tpu.memory_space<hbm>> -> memref<1x64xf32, #tpu.memory_space<hbm>>
      %dma_start3A_195 = arith.constant 0 : i32
      %dma_start3A_196 = tpu.memref_slice %arg7[%add3A_190, %dma_start3A_195] : memref<256x64xf32, #tpu.memory_space<vmem>> -> memref<1x64xf32, #tpu.memory_space<vmem>>
      %dma_start3A_197 = arith.constant 0 : i32
      %dma_start3A_198 = tpu.memref_slice %arg4[%squeeze3A_186, %dma_start3A_197] : memref<100000x64xf32, #tpu.memory_space<hbm>> -> memref<1x64xf32, #tpu.memory_space<hbm>>
      tpu.enqueue_dma source(%dma_start3A_198 : memref<1x64xf32, #tpu.memory_space<hbm>>) target(%dma_start3A_196 : memref<1x64xf32, #tpu.memory_space<vmem>>) target_semaphore(%arg11 : memref<!tpu.dma_semaphore, #tpu.memory_space<semaphore_mem>>)
      %slice3A_199 = vector.extract_strided_slice %get3A_74 {offsets = [9], sizes = [1], strides = [1]} : vector<16xi32> to vector<1xi32>
      %squeeze3A_200 = vector.extract %slice3A_199[0] : i32 from vector<1xi32>
      %mul3A_201 = arith.constant 16 : i32
      %mul3A_202 = arith.muli %add3A_68, %mul3A_201 : i32
      %add3A_203 = arith.constant 9 : i32
      %add3A_204 = arith.addi %mul3A_202, %add3A_203 : i32
      %dma_start3A_205 = arith.constant 0 : i32
      %dma_start3A_206 = tpu.memref_slice %arg7[%add3A_204, %dma_start3A_205] : memref<256x64xf32, #tpu.memory_space<vmem>> -> memref<1x64xf32, #tpu.memory_space<vmem>>
      %dma_start3A_207 = arith.constant 0 : i32
      %dma_start3A_208 = tpu.memref_slice %arg4[%squeeze3A_200, %dma_start3A_207] : memref<100000x64xf32, #tpu.memory_space<hbm>> -> memref<1x64xf32, #tpu.memory_space<hbm>>
      %dma_start3A_209 = arith.constant 0 : i32
      %dma_start3A_210 = tpu.memref_slice %arg7[%add3A_204, %dma_start3A_209] : memref<256x64xf32, #tpu.memory_space<vmem>> -> memref<1x64xf32, #tpu.memory_space<vmem>>
      %dma_start3A_211 = arith.constant 0 : i32
      %dma_start3A_212 = tpu.memref_slice %arg4[%squeeze3A_200, %dma_start3A_211] : memref<100000x64xf32, #tpu.memory_space<hbm>> -> memref<1x64xf32, #tpu.memory_space<hbm>>
      tpu.enqueue_dma source(%dma_start3A_212 : memref<1x64xf32, #tpu.memory_space<hbm>>) target(%dma_start3A_210 : memref<1x64xf32, #tpu.memory_space<vmem>>) target_semaphore(%arg11 : memref<!tpu.dma_semaphore, #tpu.memory_space<semaphore_mem>>)
      %slice3A_213 = vector.extract_strided_slice %get3A_74 {offsets = [10], sizes = [1], strides = [1]} : vector<16xi32> to vector<1xi32>
      %squeeze3A_214 = vector.extract %slice3A_213[0] : i32 from vector<1xi32>
      %mul3A_215 = arith.constant 16 : i32
      %mul3A_216 = arith.muli %add3A_68, %mul3A_215 : i32
      %add3A_217 = arith.constant 10 : i32
      %add3A_218 = arith.addi %mul3A_216, %add3A_217 : i32
      %dma_start3A_219 = arith.constant 0 : i32
      %dma_start3A_220 = tpu.memref_slice %arg7[%add3A_218, %dma_start3A_219] : memref<256x64xf32, #tpu.memory_space<vmem>> -> memref<1x64xf32, #tpu.memory_space<vmem>>
      %dma_start3A_221 = arith.constant 0 : i32
      %dma_start3A_222 = tpu.memref_slice %arg4[%squeeze3A_214, %dma_start3A_221] : memref<100000x64xf32, #tpu.memory_space<hbm>> -> memref<1x64xf32, #tpu.memory_space<hbm>>
      %dma_start3A_223 = arith.constant 0 : i32
      %dma_start3A_224 = tpu.memref_slice %arg7[%add3A_218, %dma_start3A_223] : memref<256x64xf32, #tpu.memory_space<vmem>> -> memref<1x64xf32, #tpu.memory_space<vmem>>
      %dma_start3A_225 = arith.constant 0 : i32
      %dma_start3A_226 = tpu.memref_slice %arg4[%squeeze3A_214, %dma_start3A_225] : memref<100000x64xf32, #tpu.memory_space<hbm>> -> memref<1x64xf32, #tpu.memory_space<hbm>>
      tpu.enqueue_dma source(%dma_start3A_226 : memref<1x64xf32, #tpu.memory_space<hbm>>) target(%dma_start3A_224 : memref<1x64xf32, #tpu.memory_space<vmem>>) target_semaphore(%arg11 : memref<!tpu.dma_semaphore, #tpu.memory_space<semaphore_mem>>)
      %slice3A_227 = vector.extract_strided_slice %get3A_74 {offsets = [11], sizes = [1], strides = [1]} : vector<16xi32> to vector<1xi32>
      %squeeze3A_228 = vector.extract %slice3A_227[0] : i32 from vector<1xi32>
      %mul3A_229 = arith.constant 16 : i32
      %mul3A_230 = arith.muli %add3A_68, %mul3A_229 : i32
      %add3A_231 = arith.constant 11 : i32
      %add3A_232 = arith.addi %mul3A_230, %add3A_231 : i32
      %dma_start3A_233 = arith.constant 0 : i32
      %dma_start3A_234 = tpu.memref_slice %arg7[%add3A_232, %dma_start3A_233] : memref<256x64xf32, #tpu.memory_space<vmem>> -> memref<1x64xf32, #tpu.memory_space<vmem>>
      %dma_start3A_235 = arith.constant 0 : i32
      %dma_start3A_236 = tpu.memref_slice %arg4[%squeeze3A_228, %dma_start3A_235] : memref<100000x64xf32, #tpu.memory_space<hbm>> -> memref<1x64xf32, #tpu.memory_space<hbm>>
      %dma_start3A_237 = arith.constant 0 : i32
      %dma_start3A_238 = tpu.memref_slice %arg7[%add3A_232, %dma_start3A_237] : memref<256x64xf32, #tpu.memory_space<vmem>> -> memref<1x64xf32, #tpu.memory_space<vmem>>
      %dma_start3A_239 = arith.constant 0 : i32
      %dma_start3A_240 = tpu.memref_slice %arg4[%squeeze3A_228, %dma_start3A_239] : memref<100000x64xf32, #tpu.memory_space<hbm>> -> memref<1x64xf32, #tpu.memory_space<hbm>>
      tpu.enqueue_dma source(%dma_start3A_240 : memref<1x64xf32, #tpu.memory_space<hbm>>) target(%dma_start3A_238 : memref<1x64xf32, #tpu.memory_space<vmem>>) target_semaphore(%arg11 : memref<!tpu.dma_semaphore, #tpu.memory_space<semaphore_mem>>)
      %slice3A_241 = vector.extract_strided_slice %get3A_74 {offsets = [12], sizes = [1], strides = [1]} : vector<16xi32> to vector<1xi32>
      %squeeze3A_242 = vector.extract %slice3A_241[0] : i32 from vector<1xi32>
      %mul3A_243 = arith.constant 16 : i32
      %mul3A_244 = arith.muli %add3A_68, %mul3A_243 : i32
      %add3A_245 = arith.constant 12 : i32
      %add3A_246 = arith.addi %mul3A_244, %add3A_245 : i32
      %dma_start3A_247 = arith.constant 0 : i32
      %dma_start3A_248 = tpu.memref_slice %arg7[%add3A_246, %dma_start3A_247] : memref<256x64xf32, #tpu.memory_space<vmem>> -> memref<1x64xf32, #tpu.memory_space<vmem>>
      %dma_start3A_249 = arith.constant 0 : i32
      %dma_start3A_250 = tpu.memref_slice %arg4[%squeeze3A_242, %dma_start3A_249] : memref<100000x64xf32, #tpu.memory_space<hbm>> -> memref<1x64xf32, #tpu.memory_space<hbm>>
      %dma_start3A_251 = arith.constant 0 : i32
      %dma_start3A_252 = tpu.memref_slice %arg7[%add3A_246, %dma_start3A_251] : memref<256x64xf32, #tpu.memory_space<vmem>> -> memref<1x64xf32, #tpu.memory_space<vmem>>
      %dma_start3A_253 = arith.constant 0 : i32
      %dma_start3A_254 = tpu.memref_slice %arg4[%squeeze3A_242, %dma_start3A_253] : memref<100000x64xf32, #tpu.memory_space<hbm>> -> memref<1x64xf32, #tpu.memory_space<hbm>>
      tpu.enqueue_dma source(%dma_start3A_254 : memref<1x64xf32, #tpu.memory_space<hbm>>) target(%dma_start3A_252 : memref<1x64xf32, #tpu.memory_space<vmem>>) target_semaphore(%arg11 : memref<!tpu.dma_semaphore, #tpu.memory_space<semaphore_mem>>)
      %slice3A_255 = vector.extract_strided_slice %get3A_74 {offsets = [13], sizes = [1], strides = [1]} : vector<16xi32> to vector<1xi32>
      %squeeze3A_256 = vector.extract %slice3A_255[0] : i32 from vector<1xi32>
      %mul3A_257 = arith.constant 16 : i32
      %mul3A_258 = arith.muli %add3A_68, %mul3A_257 : i32
      %add3A_259 = arith.constant 13 : i32
      %add3A_260 = arith.addi %mul3A_258, %add3A_259 : i32
      %dma_start3A_261 = arith.constant 0 : i32
      %dma_start3A_262 = tpu.memref_slice %arg7[%add3A_260, %dma_start3A_261] : memref<256x64xf32, #tpu.memory_space<vmem>> -> memref<1x64xf32, #tpu.memory_space<vmem>>
      %dma_start3A_263 = arith.constant 0 : i32
      %dma_start3A_264 = tpu.memref_slice %arg4[%squeeze3A_256, %dma_start3A_263] : memref<100000x64xf32, #tpu.memory_space<hbm>> -> memref<1x64xf32, #tpu.memory_space<hbm>>
      %dma_start3A_265 = arith.constant 0 : i32
      %dma_start3A_266 = tpu.memref_slice %arg7[%add3A_260, %dma_start3A_265] : memref<256x64xf32, #tpu.memory_space<vmem>> -> memref<1x64xf32, #tpu.memory_space<vmem>>
      %dma_start3A_267 = arith.constant 0 : i32
      %dma_start3A_268 = tpu.memref_slice %arg4[%squeeze3A_256, %dma_start3A_267] : memref<100000x64xf32, #tpu.memory_space<hbm>> -> memref<1x64xf32, #tpu.memory_space<hbm>>
      tpu.enqueue_dma source(%dma_start3A_268 : memref<1x64xf32, #tpu.memory_space<hbm>>) target(%dma_start3A_266 : memref<1x64xf32, #tpu.memory_space<vmem>>) target_semaphore(%arg11 : memref<!tpu.dma_semaphore, #tpu.memory_space<semaphore_mem>>)
      %slice3A_269 = vector.extract_strided_slice %get3A_74 {offsets = [14], sizes = [1], strides = [1]} : vector<16xi32> to vector<1xi32>
      %squeeze3A_270 = vector.extract %slice3A_269[0] : i32 from vector<1xi32>
      %mul3A_271 = arith.constant 16 : i32
      %mul3A_272 = arith.muli %add3A_68, %mul3A_271 : i32
      %add3A_273 = arith.constant 14 : i32
      %add3A_274 = arith.addi %mul3A_272, %add3A_273 : i32
      %dma_start3A_275 = arith.constant 0 : i32
      %dma_start3A_276 = tpu.memref_slice %arg7[%add3A_274, %dma_start3A_275] : memref<256x64xf32, #tpu.memory_space<vmem>> -> memref<1x64xf32, #tpu.memory_space<vmem>>
      %dma_start3A_277 = arith.constant 0 : i32
      %dma_start3A_278 = tpu.memref_slice %arg4[%squeeze3A_270, %dma_start3A_277] : memref<100000x64xf32, #tpu.memory_space<hbm>> -> memref<1x64xf32, #tpu.memory_space<hbm>>
      %dma_start3A_279 = arith.constant 0 : i32
      %dma_start3A_280 = tpu.memref_slice %arg7[%add3A_274, %dma_start3A_279] : memref<256x64xf32, #tpu.memory_space<vmem>> -> memref<1x64xf32, #tpu.memory_space<vmem>>
      %dma_start3A_281 = arith.constant 0 : i32
      %dma_start3A_282 = tpu.memref_slice %arg4[%squeeze3A_270, %dma_start3A_281] : memref<100000x64xf32, #tpu.memory_space<hbm>> -> memref<1x64xf32, #tpu.memory_space<hbm>>
      tpu.enqueue_dma source(%dma_start3A_282 : memref<1x64xf32, #tpu.memory_space<hbm>>) target(%dma_start3A_280 : memref<1x64xf32, #tpu.memory_space<vmem>>) target_semaphore(%arg11 : memref<!tpu.dma_semaphore, #tpu.memory_space<semaphore_mem>>)
      %slice3A_283 = vector.extract_strided_slice %get3A_74 {offsets = [15], sizes = [1], strides = [1]} : vector<16xi32> to vector<1xi32>
      %squeeze3A_284 = vector.extract %slice3A_283[0] : i32 from vector<1xi32>
      %mul3A_285 = arith.constant 16 : i32
      %mul3A_286 = arith.muli %add3A_68, %mul3A_285 : i32
      %add3A_287 = arith.constant 15 : i32
      %add3A_288 = arith.addi %mul3A_286, %add3A_287 : i32
      %dma_start3A_289 = arith.constant 0 : i32
      %dma_start3A_290 = tpu.memref_slice %arg7[%add3A_288, %dma_start3A_289] : memref<256x64xf32, #tpu.memory_space<vmem>> -> memref<1x64xf32, #tpu.memory_space<vmem>>
      %dma_start3A_291 = arith.constant 0 : i32
      %dma_start3A_292 = tpu.memref_slice %arg4[%squeeze3A_284, %dma_start3A_291] : memref<100000x64xf32, #tpu.memory_space<hbm>> -> memref<1x64xf32, #tpu.memory_space<hbm>>
      %dma_start3A_293 = arith.constant 0 : i32
      %dma_start3A_294 = tpu.memref_slice %arg7[%add3A_288, %dma_start3A_293] : memref<256x64xf32, #tpu.memory_space<vmem>> -> memref<1x64xf32, #tpu.memory_space<vmem>>
      %dma_start3A_295 = arith.constant 0 : i32
      %dma_start3A_296 = tpu.memref_slice %arg4[%squeeze3A_284, %dma_start3A_295] : memref<100000x64xf32, #tpu.memory_space<hbm>> -> memref<1x64xf32, #tpu.memory_space<hbm>>
      tpu.enqueue_dma source(%dma_start3A_296 : memref<1x64xf32, #tpu.memory_space<hbm>>) target(%dma_start3A_294 : memref<1x64xf32, #tpu.memory_space<vmem>>) target_semaphore(%arg11 : memref<!tpu.dma_semaphore, #tpu.memory_space<semaphore_mem>>)
    }
    %scan3A_6 = arith.constant 16 : i32
    %broadcast_in_dim3A = arith.constant 0.000000e+00 : f32
    %broadcast_in_dim3A_7 = vector.broadcast %broadcast_in_dim3A : f32 to vector<16xf32>
    %add3A_8 = arith.constant 0 : i32
    %add3A_9 = arith.addi %mul3A_2, %add3A_8 : i32
    %dma_start3A = arith.constant 0 : i32
    %dma_start3A_10 = tpu.memref_slice %arg2[%add3A_9, %dma_start3A] : memref<16384x64xf32, #tpu.memory_space<hbm>> -> memref<256x64xf32, #tpu.memory_space<hbm>>
    %dma_start3A_11 = arith.constant 0 : i32
    %dma_start3A_12 = tpu.memref_slice %arg2[%add3A_9, %dma_start3A_11] : memref<16384x64xf32, #tpu.memory_space<hbm>> -> memref<256x64xf32, #tpu.memory_space<hbm>>
    tpu.enqueue_dma source(%dma_start3A_12 : memref<256x64xf32, #tpu.memory_space<hbm>>) target(%arg9 : memref<256x64xf32, #tpu.memory_space<vmem>>) target_semaphore(%arg13 : memref<!tpu.dma_semaphore, #tpu.memory_space<semaphore_mem>>)
    %scan3A_13 = arith.constant 0 : i32
    %scan3A_14 = arith.constant 16 : i32
    %scan3A_15 = arith.addi %scan3A_13, %scan3A_14 : i32
    %scan3A_16 = arith.constant 1 : i32
    scf.for %scan3A_64 = %scan3A_13 to %scan3A_15 step %scan3A_16  : i32 {
      %mul3A_65 = arith.constant 1 : i32
      %mul3A_66 = arith.muli %scan3A_64, %mul3A_65 : i32
      %add3A_67 = arith.constant 0 : i32
      %add3A_68 = arith.addi %add3A_67, %mul3A_66 : i32
      %mul3A_69 = arith.constant 16 : i32
      %mul3A_70 = arith.muli %add3A_68, %mul3A_69 : i32
      %add3A_71 = arith.constant 256 : i32
      %add3A_72 = arith.addi %add3A_71, %mul3A_70 : i32
      %get3A = arith.index_cast %add3A_72 : i32 to index
      %get3A_73 = tpu.vector_load %arg6[%get3A] {strides = array<i32>} : memref<512xi32, #tpu.memory_space<vmem>>, vector<16xi32>,
      %get3A_74 = vector.shape_cast %get3A_73 : vector<16xi32> to vector<16xi32>
      %slice3A = vector.extract_strided_slice %get3A_74 {offsets = [0], sizes = [1], strides = [1]} : vector<16xi32> to vector<1xi32>
      %squeeze3A = vector.extract %slice3A[0] : i32 from vector<1xi32>
      %mul3A_75 = arith.constant 16 : i32
      %mul3A_76 = arith.muli %add3A_68, %mul3A_75 : i32
      %add3A_77 = arith.constant 0 : i32
      %add3A_78 = arith.addi %mul3A_76, %add3A_77 : i32
      %dma_start3A_79 = arith.constant 0 : i32
      %dma_start3A_80 = tpu.memref_slice %arg8[%add3A_78, %dma_start3A_79] : memref<256x64xf32, #tpu.memory_space<vmem>> -> memref<1x64xf32, #tpu.memory_space<vmem>>
      %dma_start3A_81 = arith.constant 0 : i32
      %dma_start3A_82 = tpu.memref_slice %arg4[%squeeze3A, %dma_start3A_81] : memref<100000x64xf32, #tpu.memory_space<hbm>> -> memref<1x64xf32, #tpu.memory_space<hbm>>
      %dma_start3A_83 = arith.constant 0 : i32
      %dma_start3A_84 = tpu.memref_slice %arg8[%add3A_78, %dma_start3A_83] : memref<256x64xf32, #tpu.memory_space<vmem>> -> memref<1x64xf32, #tpu.memory_space<vmem>>
      %dma_start3A_85 = arith.constant 0 : i32
      %dma_start3A_86 = tpu.memref_slice %arg4[%squeeze3A, %dma_start3A_85] : memref<100000x64xf32, #tpu.memory_space<hbm>> -> memref<1x64xf32, #tpu.memory_space<hbm>>
      tpu.enqueue_dma source(%dma_start3A_86 : memref<1x64xf32, #tpu.memory_space<hbm>>) target(%dma_start3A_84 : memref<1x64xf32, #tpu.memory_space<vmem>>) target_semaphore(%arg12 : memref<!tpu.dma_semaphore, #tpu.memory_space<semaphore_mem>>)
      %slice3A_87 = vector.extract_strided_slice %get3A_74 {offsets = [1], sizes = [1], strides = [1]} : vector<16xi32> to vector<1xi32>
      %squeeze3A_88 = vector.extract %slice3A_87[0] : i32 from vector<1xi32>
      %mul3A_89 = arith.constant 16 : i32
      %mul3A_90 = arith.muli %add3A_68, %mul3A_89 : i32
      %add3A_91 = arith.constant 1 : i32
      %add3A_92 = arith.addi %mul3A_90, %add3A_91 : i32
      %dma_start3A_93 = arith.constant 0 : i32
      %dma_start3A_94 = tpu.memref_slice %arg8[%add3A_92, %dma_start3A_93] : memref<256x64xf32, #tpu.memory_space<vmem>> -> memref<1x64xf32, #tpu.memory_space<vmem>>
      %dma_start3A_95 = arith.constant 0 : i32
      %dma_start3A_96 = tpu.memref_slice %arg4[%squeeze3A_88, %dma_start3A_95] : memref<100000x64xf32, #tpu.memory_space<hbm>> -> memref<1x64xf32, #tpu.memory_space<hbm>>
      %dma_start3A_97 = arith.constant 0 : i32
      %dma_start3A_98 = tpu.memref_slice %arg8[%add3A_92, %dma_start3A_97] : memref<256x64xf32, #tpu.memory_space<vmem>> -> memref<1x64xf32, #tpu.memory_space<vmem>>
      %dma_start3A_99 = arith.constant 0 : i32
      %dma_start3A_100 = tpu.memref_slice %arg4[%squeeze3A_88, %dma_start3A_99] : memref<100000x64xf32, #tpu.memory_space<hbm>> -> memref<1x64xf32, #tpu.memory_space<hbm>>
      tpu.enqueue_dma source(%dma_start3A_100 : memref<1x64xf32, #tpu.memory_space<hbm>>) target(%dma_start3A_98 : memref<1x64xf32, #tpu.memory_space<vmem>>) target_semaphore(%arg12 : memref<!tpu.dma_semaphore, #tpu.memory_space<semaphore_mem>>)
      %slice3A_101 = vector.extract_strided_slice %get3A_74 {offsets = [2], sizes = [1], strides = [1]} : vector<16xi32> to vector<1xi32>
      %squeeze3A_102 = vector.extract %slice3A_101[0] : i32 from vector<1xi32>
      %mul3A_103 = arith.constant 16 : i32
      %mul3A_104 = arith.muli %add3A_68, %mul3A_103 : i32
      %add3A_105 = arith.constant 2 : i32
      %add3A_106 = arith.addi %mul3A_104, %add3A_105 : i32
      %dma_start3A_107 = arith.constant 0 : i32
      %dma_start3A_108 = tpu.memref_slice %arg8[%add3A_106, %dma_start3A_107] : memref<256x64xf32, #tpu.memory_space<vmem>> -> memref<1x64xf32, #tpu.memory_space<vmem>>
      %dma_start3A_109 = arith.constant 0 : i32
      %dma_start3A_110 = tpu.memref_slice %arg4[%squeeze3A_102, %dma_start3A_109] : memref<100000x64xf32, #tpu.memory_space<hbm>> -> memref<1x64xf32, #tpu.memory_space<hbm>>
      %dma_start3A_111 = arith.constant 0 : i32
      %dma_start3A_112 = tpu.memref_slice %arg8[%add3A_106, %dma_start3A_111] : memref<256x64xf32, #tpu.memory_space<vmem>> -> memref<1x64xf32, #tpu.memory_space<vmem>>
      %dma_start3A_113 = arith.constant 0 : i32
      %dma_start3A_114 = tpu.memref_slice %arg4[%squeeze3A_102, %dma_start3A_113] : memref<100000x64xf32, #tpu.memory_space<hbm>> -> memref<1x64xf32, #tpu.memory_space<hbm>>
      tpu.enqueue_dma source(%dma_start3A_114 : memref<1x64xf32, #tpu.memory_space<hbm>>) target(%dma_start3A_112 : memref<1x64xf32, #tpu.memory_space<vmem>>) target_semaphore(%arg12 : memref<!tpu.dma_semaphore, #tpu.memory_space<semaphore_mem>>)
      %slice3A_115 = vector.extract_strided_slice %get3A_74 {offsets = [3], sizes = [1], strides = [1]} : vector<16xi32> to vector<1xi32>
      %squeeze3A_116 = vector.extract %slice3A_115[0] : i32 from vector<1xi32>
      %mul3A_117 = arith.constant 16 : i32
      %mul3A_118 = arith.muli %add3A_68, %mul3A_117 : i32
      %add3A_119 = arith.constant 3 : i32
      %add3A_120 = arith.addi %mul3A_118, %add3A_119 : i32
      %dma_start3A_121 = arith.constant 0 : i32
      %dma_start3A_122 = tpu.memref_slice %arg8[%add3A_120, %dma_start3A_121] : memref<256x64xf32, #tpu.memory_space<vmem>> -> memref<1x64xf32, #tpu.memory_space<vmem>>
      %dma_start3A_123 = arith.constant 0 : i32
      %dma_start3A_124 = tpu.memref_slice %arg4[%squeeze3A_116, %dma_start3A_123] : memref<100000x64xf32, #tpu.memory_space<hbm>> -> memref<1x64xf32, #tpu.memory_space<hbm>>
      %dma_start3A_125 = arith.constant 0 : i32
      %dma_start3A_126 = tpu.memref_slice %arg8[%add3A_120, %dma_start3A_125] : memref<256x64xf32, #tpu.memory_space<vmem>> -> memref<1x64xf32, #tpu.memory_space<vmem>>
      %dma_start3A_127 = arith.constant 0 : i32
      %dma_start3A_128 = tpu.memref_slice %arg4[%squeeze3A_116, %dma_start3A_127] : memref<100000x64xf32, #tpu.memory_space<hbm>> -> memref<1x64xf32, #tpu.memory_space<hbm>>
      tpu.enqueue_dma source(%dma_start3A_128 : memref<1x64xf32, #tpu.memory_space<hbm>>) target(%dma_start3A_126 : memref<1x64xf32, #tpu.memory_space<vmem>>) target_semaphore(%arg12 : memref<!tpu.dma_semaphore, #tpu.memory_space<semaphore_mem>>)
      %slice3A_129 = vector.extract_strided_slice %get3A_74 {offsets = [4], sizes = [1], strides = [1]} : vector<16xi32> to vector<1xi32>
      %squeeze3A_130 = vector.extract %slice3A_129[0] : i32 from vector<1xi32>
      %mul3A_131 = arith.constant 16 : i32
      %mul3A_132 = arith.muli %add3A_68, %mul3A_131 : i32
      %add3A_133 = arith.constant 4 : i32
      %add3A_134 = arith.addi %mul3A_132, %add3A_133 : i32
      %dma_start3A_135 = arith.constant 0 : i32
      %dma_start3A_136 = tpu.memref_slice %arg8[%add3A_134, %dma_start3A_135] : memref<256x64xf32, #tpu.memory_space<vmem>> -> memref<1x64xf32, #tpu.memory_space<vmem>>
      %dma_start3A_137 = arith.constant 0 : i32
      %dma_start3A_138 = tpu.memref_slice %arg4[%squeeze3A_130, %dma_start3A_137] : memref<100000x64xf32, #tpu.memory_space<hbm>> -> memref<1x64xf32, #tpu.memory_space<hbm>>
      %dma_start3A_139 = arith.constant 0 : i32
      %dma_start3A_140 = tpu.memref_slice %arg8[%add3A_134, %dma_start3A_139] : memref<256x64xf32, #tpu.memory_space<vmem>> -> memref<1x64xf32, #tpu.memory_space<vmem>>
      %dma_start3A_141 = arith.constant 0 : i32
      %dma_start3A_142 = tpu.memref_slice %arg4[%squeeze3A_130, %dma_start3A_141] : memref<100000x64xf32, #tpu.memory_space<hbm>> -> memref<1x64xf32, #tpu.memory_space<hbm>>
      tpu.enqueue_dma source(%dma_start3A_142 : memref<1x64xf32, #tpu.memory_space<hbm>>) target(%dma_start3A_140 : memref<1x64xf32, #tpu.memory_space<vmem>>) target_semaphore(%arg12 : memref<!tpu.dma_semaphore, #tpu.memory_space<semaphore_mem>>)
      %slice3A_143 = vector.extract_strided_slice %get3A_74 {offsets = [5], sizes = [1], strides = [1]} : vector<16xi32> to vector<1xi32>
      %squeeze3A_144 = vector.extract %slice3A_143[0] : i32 from vector<1xi32>
      %mul3A_145 = arith.constant 16 : i32
      %mul3A_146 = arith.muli %add3A_68, %mul3A_145 : i32
      %add3A_147 = arith.constant 5 : i32
      %add3A_148 = arith.addi %mul3A_146, %add3A_147 : i32
      %dma_start3A_149 = arith.constant 0 : i32
      %dma_start3A_150 = tpu.memref_slice %arg8[%add3A_148, %dma_start3A_149] : memref<256x64xf32, #tpu.memory_space<vmem>> -> memref<1x64xf32, #tpu.memory_space<vmem>>
      %dma_start3A_151 = arith.constant 0 : i32
      %dma_start3A_152 = tpu.memref_slice %arg4[%squeeze3A_144, %dma_start3A_151] : memref<100000x64xf32, #tpu.memory_space<hbm>> -> memref<1x64xf32, #tpu.memory_space<hbm>>
      %dma_start3A_153 = arith.constant 0 : i32
      %dma_start3A_154 = tpu.memref_slice %arg8[%add3A_148, %dma_start3A_153] : memref<256x64xf32, #tpu.memory_space<vmem>> -> memref<1x64xf32, #tpu.memory_space<vmem>>
      %dma_start3A_155 = arith.constant 0 : i32
      %dma_start3A_156 = tpu.memref_slice %arg4[%squeeze3A_144, %dma_start3A_155] : memref<100000x64xf32, #tpu.memory_space<hbm>> -> memref<1x64xf32, #tpu.memory_space<hbm>>
      tpu.enqueue_dma source(%dma_start3A_156 : memref<1x64xf32, #tpu.memory_space<hbm>>) target(%dma_start3A_154 : memref<1x64xf32, #tpu.memory_space<vmem>>) target_semaphore(%arg12 : memref<!tpu.dma_semaphore, #tpu.memory_space<semaphore_mem>>)
      %slice3A_157 = vector.extract_strided_slice %get3A_74 {offsets = [6], sizes = [1], strides = [1]} : vector<16xi32> to vector<1xi32>
      %squeeze3A_158 = vector.extract %slice3A_157[0] : i32 from vector<1xi32>
      %mul3A_159 = arith.constant 16 : i32
      %mul3A_160 = arith.muli %add3A_68, %mul3A_159 : i32
      %add3A_161 = arith.constant 6 : i32
      %add3A_162 = arith.addi %mul3A_160, %add3A_161 : i32
      %dma_start3A_163 = arith.constant 0 : i32
      %dma_start3A_164 = tpu.memref_slice %arg8[%add3A_162, %dma_start3A_163] : memref<256x64xf32, #tpu.memory_space<vmem>> -> memref<1x64xf32, #tpu.memory_space<vmem>>
      %dma_start3A_165 = arith.constant 0 : i32
      %dma_start3A_166 = tpu.memref_slice %arg4[%squeeze3A_158, %dma_start3A_165] : memref<100000x64xf32, #tpu.memory_space<hbm>> -> memref<1x64xf32, #tpu.memory_space<hbm>>
      %dma_start3A_167 = arith.constant 0 : i32
      %dma_start3A_168 = tpu.memref_slice %arg8[%add3A_162, %dma_start3A_167] : memref<256x64xf32, #tpu.memory_space<vmem>> -> memref<1x64xf32, #tpu.memory_space<vmem>>
      %dma_start3A_169 = arith.constant 0 : i32
      %dma_start3A_170 = tpu.memref_slice %arg4[%squeeze3A_158, %dma_start3A_169] : memref<100000x64xf32, #tpu.memory_space<hbm>> -> memref<1x64xf32, #tpu.memory_space<hbm>>
      tpu.enqueue_dma source(%dma_start3A_170 : memref<1x64xf32, #tpu.memory_space<hbm>>) target(%dma_start3A_168 : memref<1x64xf32, #tpu.memory_space<vmem>>) target_semaphore(%arg12 : memref<!tpu.dma_semaphore, #tpu.memory_space<semaphore_mem>>)
      %slice3A_171 = vector.extract_strided_slice %get3A_74 {offsets = [7], sizes = [1], strides = [1]} : vector<16xi32> to vector<1xi32>
      %squeeze3A_172 = vector.extract %slice3A_171[0] : i32 from vector<1xi32>
      %mul3A_173 = arith.constant 16 : i32
      %mul3A_174 = arith.muli %add3A_68, %mul3A_173 : i32
      %add3A_175 = arith.constant 7 : i32
      %add3A_176 = arith.addi %mul3A_174, %add3A_175 : i32
      %dma_start3A_177 = arith.constant 0 : i32
      %dma_start3A_178 = tpu.memref_slice %arg8[%add3A_176, %dma_start3A_177] : memref<256x64xf32, #tpu.memory_space<vmem>> -> memref<1x64xf32, #tpu.memory_space<vmem>>
      %dma_start3A_179 = arith.constant 0 : i32
      %dma_start3A_180 = tpu.memref_slice %arg4[%squeeze3A_172, %dma_start3A_179] : memref<100000x64xf32, #tpu.memory_space<hbm>> -> memref<1x64xf32, #tpu.memory_space<hbm>>
      %dma_start3A_181 = arith.constant 0 : i32
      %dma_start3A_182 = tpu.memref_slice %arg8[%add3A_176, %dma_start3A_181] : memref<256x64xf32, #tpu.memory_space<vmem>> -> memref<1x64xf32, #tpu.memory_space<vmem>>
      %dma_start3A_183 = arith.constant 0 : i32
      %dma_start3A_184 = tpu.memref_slice %arg4[%squeeze3A_172, %dma_start3A_183] : memref<100000x64xf32, #tpu.memory_space<hbm>> -> memref<1x64xf32, #tpu.memory_space<hbm>>
      tpu.enqueue_dma source(%dma_start3A_184 : memref<1x64xf32, #tpu.memory_space<hbm>>) target(%dma_start3A_182 : memref<1x64xf32, #tpu.memory_space<vmem>>) target_semaphore(%arg12 : memref<!tpu.dma_semaphore, #tpu.memory_space<semaphore_mem>>)
      %slice3A_185 = vector.extract_strided_slice %get3A_74 {offsets = [8], sizes = [1], strides = [1]} : vector<16xi32> to vector<1xi32>
      %squeeze3A_186 = vector.extract %slice3A_185[0] : i32 from vector<1xi32>
      %mul3A_187 = arith.constant 16 : i32
      %mul3A_188 = arith.muli %add3A_68, %mul3A_187 : i32
      %add3A_189 = arith.constant 8 : i32
      %add3A_190 = arith.addi %mul3A_188, %add3A_189 : i32
      %dma_start3A_191 = arith.constant 0 : i32
      %dma_start3A_192 = tpu.memref_slice %arg8[%add3A_190, %dma_start3A_191] : memref<256x64xf32, #tpu.memory_space<vmem>> -> memref<1x64xf32, #tpu.memory_space<vmem>>
      %dma_start3A_193 = arith.constant 0 : i32
      %dma_start3A_194 = tpu.memref_slice %arg4[%squeeze3A_186, %dma_start3A_193] : memref<100000x64xf32, #tpu.memory_space<hbm>> -> memref<1x64xf32, #tpu.memory_space<hbm>>
      %dma_start3A_195 = arith.constant 0 : i32
      %dma_start3A_196 = tpu.memref_slice %arg8[%add3A_190, %dma_start3A_195] : memref<256x64xf32, #tpu.memory_space<vmem>> -> memref<1x64xf32, #tpu.memory_space<vmem>>
      %dma_start3A_197 = arith.constant 0 : i32
      %dma_start3A_198 = tpu.memref_slice %arg4[%squeeze3A_186, %dma_start3A_197] : memref<100000x64xf32, #tpu.memory_space<hbm>> -> memref<1x64xf32, #tpu.memory_space<hbm>>
      tpu.enqueue_dma source(%dma_start3A_198 : memref<1x64xf32, #tpu.memory_space<hbm>>) target(%dma_start3A_196 : memref<1x64xf32, #tpu.memory_space<vmem>>) target_semaphore(%arg12 : memref<!tpu.dma_semaphore, #tpu.memory_space<semaphore_mem>>)
      %slice3A_199 = vector.extract_strided_slice %get3A_74 {offsets = [9], sizes = [1], strides = [1]} : vector<16xi32> to vector<1xi32>
      %squeeze3A_200 = vector.extract %slice3A_199[0] : i32 from vector<1xi32>
      %mul3A_201 = arith.constant 16 : i32
      %mul3A_202 = arith.muli %add3A_68, %mul3A_201 : i32
      %add3A_203 = arith.constant 9 : i32
      %add3A_204 = arith.addi %mul3A_202, %add3A_203 : i32
      %dma_start3A_205 = arith.constant 0 : i32
      %dma_start3A_206 = tpu.memref_slice %arg8[%add3A_204, %dma_start3A_205] : memref<256x64xf32, #tpu.memory_space<vmem>> -> memref<1x64xf32, #tpu.memory_space<vmem>>
      %dma_start3A_207 = arith.constant 0 : i32
      %dma_start3A_208 = tpu.memref_slice %arg4[%squeeze3A_200, %dma_start3A_207] : memref<100000x64xf32, #tpu.memory_space<hbm>> -> memref<1x64xf32, #tpu.memory_space<hbm>>
      %dma_start3A_209 = arith.constant 0 : i32
      %dma_start3A_210 = tpu.memref_slice %arg8[%add3A_204, %dma_start3A_209] : memref<256x64xf32, #tpu.memory_space<vmem>> -> memref<1x64xf32, #tpu.memory_space<vmem>>
      %dma_start3A_211 = arith.constant 0 : i32
      %dma_start3A_212 = tpu.memref_slice %arg4[%squeeze3A_200, %dma_start3A_211] : memref<100000x64xf32, #tpu.memory_space<hbm>> -> memref<1x64xf32, #tpu.memory_space<hbm>>
      tpu.enqueue_dma source(%dma_start3A_212 : memref<1x64xf32, #tpu.memory_space<hbm>>) target(%dma_start3A_210 : memref<1x64xf32, #tpu.memory_space<vmem>>) target_semaphore(%arg12 : memref<!tpu.dma_semaphore, #tpu.memory_space<semaphore_mem>>)
      %slice3A_213 = vector.extract_strided_slice %get3A_74 {offsets = [10], sizes = [1], strides = [1]} : vector<16xi32> to vector<1xi32>
      %squeeze3A_214 = vector.extract %slice3A_213[0] : i32 from vector<1xi32>
      %mul3A_215 = arith.constant 16 : i32
      %mul3A_216 = arith.muli %add3A_68, %mul3A_215 : i32
      %add3A_217 = arith.constant 10 : i32
      %add3A_218 = arith.addi %mul3A_216, %add3A_217 : i32
      %dma_start3A_219 = arith.constant 0 : i32
      %dma_start3A_220 = tpu.memref_slice %arg8[%add3A_218, %dma_start3A_219] : memref<256x64xf32, #tpu.memory_space<vmem>> -> memref<1x64xf32, #tpu.memory_space<vmem>>
      %dma_start3A_221 = arith.constant 0 : i32
      %dma_start3A_222 = tpu.memref_slice %arg4[%squeeze3A_214, %dma_start3A_221] : memref<100000x64xf32, #tpu.memory_space<hbm>> -> memref<1x64xf32, #tpu.memory_space<hbm>>
      %dma_start3A_223 = arith.constant 0 : i32
      %dma_start3A_224 = tpu.memref_slice %arg8[%add3A_218, %dma_start3A_223] : memref<256x64xf32, #tpu.memory_space<vmem>> -> memref<1x64xf32, #tpu.memory_space<vmem>>
      %dma_start3A_225 = arith.constant 0 : i32
      %dma_start3A_226 = tpu.memref_slice %arg4[%squeeze3A_214, %dma_start3A_225] : memref<100000x64xf32, #tpu.memory_space<hbm>> -> memref<1x64xf32, #tpu.memory_space<hbm>>
      tpu.enqueue_dma source(%dma_start3A_226 : memref<1x64xf32, #tpu.memory_space<hbm>>) target(%dma_start3A_224 : memref<1x64xf32, #tpu.memory_space<vmem>>) target_semaphore(%arg12 : memref<!tpu.dma_semaphore, #tpu.memory_space<semaphore_mem>>)
      %slice3A_227 = vector.extract_strided_slice %get3A_74 {offsets = [11], sizes = [1], strides = [1]} : vector<16xi32> to vector<1xi32>
      %squeeze3A_228 = vector.extract %slice3A_227[0] : i32 from vector<1xi32>
      %mul3A_229 = arith.constant 16 : i32
      %mul3A_230 = arith.muli %add3A_68, %mul3A_229 : i32
      %add3A_231 = arith.constant 11 : i32
      %add3A_232 = arith.addi %mul3A_230, %add3A_231 : i32
      %dma_start3A_233 = arith.constant 0 : i32
      %dma_start3A_234 = tpu.memref_slice %arg8[%add3A_232, %dma_start3A_233] : memref<256x64xf32, #tpu.memory_space<vmem>> -> memref<1x64xf32, #tpu.memory_space<vmem>>
      %dma_start3A_235 = arith.constant 0 : i32
      %dma_start3A_236 = tpu.memref_slice %arg4[%squeeze3A_228, %dma_start3A_235] : memref<100000x64xf32, #tpu.memory_space<hbm>> -> memref<1x64xf32, #tpu.memory_space<hbm>>
      %dma_start3A_237 = arith.constant 0 : i32
      %dma_start3A_238 = tpu.memref_slice %arg8[%add3A_232, %dma_start3A_237] : memref<256x64xf32, #tpu.memory_space<vmem>> -> memref<1x64xf32, #tpu.memory_space<vmem>>
      %dma_start3A_239 = arith.constant 0 : i32
      %dma_start3A_240 = tpu.memref_slice %arg4[%squeeze3A_228, %dma_start3A_239] : memref<100000x64xf32, #tpu.memory_space<hbm>> -> memref<1x64xf32, #tpu.memory_space<hbm>>
      tpu.enqueue_dma source(%dma_start3A_240 : memref<1x64xf32, #tpu.memory_space<hbm>>) target(%dma_start3A_238 : memref<1x64xf32, #tpu.memory_space<vmem>>) target_semaphore(%arg12 : memref<!tpu.dma_semaphore, #tpu.memory_space<semaphore_mem>>)
      %slice3A_241 = vector.extract_strided_slice %get3A_74 {offsets = [12], sizes = [1], strides = [1]} : vector<16xi32> to vector<1xi32>
      %squeeze3A_242 = vector.extract %slice3A_241[0] : i32 from vector<1xi32>
      %mul3A_243 = arith.constant 16 : i32
      %mul3A_244 = arith.muli %add3A_68, %mul3A_243 : i32
      %add3A_245 = arith.constant 12 : i32
      %add3A_246 = arith.addi %mul3A_244, %add3A_245 : i32
      %dma_start3A_247 = arith.constant 0 : i32
      %dma_start3A_248 = tpu.memref_slice %arg8[%add3A_246, %dma_start3A_247] : memref<256x64xf32, #tpu.memory_space<vmem>> -> memref<1x64xf32, #tpu.memory_space<vmem>>
      %dma_start3A_249 = arith.constant 0 : i32
      %dma_start3A_250 = tpu.memref_slice %arg4[%squeeze3A_242, %dma_start3A_249] : memref<100000x64xf32, #tpu.memory_space<hbm>> -> memref<1x64xf32, #tpu.memory_space<hbm>>
      %dma_start3A_251 = arith.constant 0 : i32
      %dma_start3A_252 = tpu.memref_slice %arg8[%add3A_246, %dma_start3A_251] : memref<256x64xf32, #tpu.memory_space<vmem>> -> memref<1x64xf32, #tpu.memory_space<vmem>>
      %dma_start3A_253 = arith.constant 0 : i32
      %dma_start3A_254 = tpu.memref_slice %arg4[%squeeze3A_242, %dma_start3A_253] : memref<100000x64xf32, #tpu.memory_space<hbm>> -> memref<1x64xf32, #tpu.memory_space<hbm>>
      tpu.enqueue_dma source(%dma_start3A_254 : memref<1x64xf32, #tpu.memory_space<hbm>>) target(%dma_start3A_252 : memref<1x64xf32, #tpu.memory_space<vmem>>) target_semaphore(%arg12 : memref<!tpu.dma_semaphore, #tpu.memory_space<semaphore_mem>>)
      %slice3A_255 = vector.extract_strided_slice %get3A_74 {offsets = [13], sizes = [1], strides = [1]} : vector<16xi32> to vector<1xi32>
      %squeeze3A_256 = vector.extract %slice3A_255[0] : i32 from vector<1xi32>
      %mul3A_257 = arith.constant 16 : i32
      %mul3A_258 = arith.muli %add3A_68, %mul3A_257 : i32
      %add3A_259 = arith.constant 13 : i32
      %add3A_260 = arith.addi %mul3A_258, %add3A_259 : i32
      %dma_start3A_261 = arith.constant 0 : i32
      %dma_start3A_262 = tpu.memref_slice %arg8[%add3A_260, %dma_start3A_261] : memref<256x64xf32, #tpu.memory_space<vmem>> -> memref<1x64xf32, #tpu.memory_space<vmem>>
      %dma_start3A_263 = arith.constant 0 : i32
      %dma_start3A_264 = tpu.memref_slice %arg4[%squeeze3A_256, %dma_start3A_263] : memref<100000x64xf32, #tpu.memory_space<hbm>> -> memref<1x64xf32, #tpu.memory_space<hbm>>
      %dma_start3A_265 = arith.constant 0 : i32
      %dma_start3A_266 = tpu.memref_slice %arg8[%add3A_260, %dma_start3A_265] : memref<256x64xf32, #tpu.memory_space<vmem>> -> memref<1x64xf32, #tpu.memory_space<vmem>>
      %dma_start3A_267 = arith.constant 0 : i32
      %dma_start3A_268 = tpu.memref_slice %arg4[%squeeze3A_256, %dma_start3A_267] : memref<100000x64xf32, #tpu.memory_space<hbm>> -> memref<1x64xf32, #tpu.memory_space<hbm>>
      tpu.enqueue_dma source(%dma_start3A_268 : memref<1x64xf32, #tpu.memory_space<hbm>>) target(%dma_start3A_266 : memref<1x64xf32, #tpu.memory_space<vmem>>) target_semaphore(%arg12 : memref<!tpu.dma_semaphore, #tpu.memory_space<semaphore_mem>>)
      %slice3A_269 = vector.extract_strided_slice %get3A_74 {offsets = [14], sizes = [1], strides = [1]} : vector<16xi32> to vector<1xi32>
      %squeeze3A_270 = vector.extract %slice3A_269[0] : i32 from vector<1xi32>
      %mul3A_271 = arith.constant 16 : i32
      %mul3A_272 = arith.muli %add3A_68, %mul3A_271 : i32
      %add3A_273 = arith.constant 14 : i32
      %add3A_274 = arith.addi %mul3A_272, %add3A_273 : i32
      %dma_start3A_275 = arith.constant 0 : i32
      %dma_start3A_276 = tpu.memref_slice %arg8[%add3A_274, %dma_start3A_275] : memref<256x64xf32, #tpu.memory_space<vmem>> -> memref<1x64xf32, #tpu.memory_space<vmem>>
      %dma_start3A_277 = arith.constant 0 : i32
      %dma_start3A_278 = tpu.memref_slice %arg4[%squeeze3A_270, %dma_start3A_277] : memref<100000x64xf32, #tpu.memory_space<hbm>> -> memref<1x64xf32, #tpu.memory_space<hbm>>
      %dma_start3A_279 = arith.constant 0 : i32
      %dma_start3A_280 = tpu.memref_slice %arg8[%add3A_274, %dma_start3A_279] : memref<256x64xf32, #tpu.memory_space<vmem>> -> memref<1x64xf32, #tpu.memory_space<vmem>>
      %dma_start3A_281 = arith.constant 0 : i32
      %dma_start3A_282 = tpu.memref_slice %arg4[%squeeze3A_270, %dma_start3A_281] : memref<100000x64xf32, #tpu.memory_space<hbm>> -> memref<1x64xf32, #tpu.memory_space<hbm>>
      tpu.enqueue_dma source(%dma_start3A_282 : memref<1x64xf32, #tpu.memory_space<hbm>>) target(%dma_start3A_280 : memref<1x64xf32, #tpu.memory_space<vmem>>) target_semaphore(%arg12 : memref<!tpu.dma_semaphore, #tpu.memory_space<semaphore_mem>>)
      %slice3A_283 = vector.extract_strided_slice %get3A_74 {offsets = [15], sizes = [1], strides = [1]} : vector<16xi32> to vector<1xi32>
      %squeeze3A_284 = vector.extract %slice3A_283[0] : i32 from vector<1xi32>
      %mul3A_285 = arith.constant 16 : i32
      %mul3A_286 = arith.muli %add3A_68, %mul3A_285 : i32
      %add3A_287 = arith.constant 15 : i32
      %add3A_288 = arith.addi %mul3A_286, %add3A_287 : i32
      %dma_start3A_289 = arith.constant 0 : i32
      %dma_start3A_290 = tpu.memref_slice %arg8[%add3A_288, %dma_start3A_289] : memref<256x64xf32, #tpu.memory_space<vmem>> -> memref<1x64xf32, #tpu.memory_space<vmem>>
      %dma_start3A_291 = arith.constant 0 : i32
      %dma_start3A_292 = tpu.memref_slice %arg4[%squeeze3A_284, %dma_start3A_291] : memref<100000x64xf32, #tpu.memory_space<hbm>> -> memref<1x64xf32, #tpu.memory_space<hbm>>
      %dma_start3A_293 = arith.constant 0 : i32
      %dma_start3A_294 = tpu.memref_slice %arg8[%add3A_288, %dma_start3A_293] : memref<256x64xf32, #tpu.memory_space<vmem>> -> memref<1x64xf32, #tpu.memory_space<vmem>>
      %dma_start3A_295 = arith.constant 0 : i32
      %dma_start3A_296 = tpu.memref_slice %arg4[%squeeze3A_284, %dma_start3A_295] : memref<100000x64xf32, #tpu.memory_space<hbm>> -> memref<1x64xf32, #tpu.memory_space<hbm>>
      tpu.enqueue_dma source(%dma_start3A_296 : memref<1x64xf32, #tpu.memory_space<hbm>>) target(%dma_start3A_294 : memref<1x64xf32, #tpu.memory_space<vmem>>) target_semaphore(%arg12 : memref<!tpu.dma_semaphore, #tpu.memory_space<semaphore_mem>>)
    }
    %scan3A_17 = arith.constant 16 : i32
    %dma_wait3A = arith.constant 0 : i32
    %dma_wait3A_18 = arith.constant 0 : i32
    %dma_wait3A_19 = tpu.memref_slice %arg4[%dma_wait3A, %dma_wait3A_18] : memref<100000x64xf32, #tpu.memory_space<hbm>> -> memref<256x64xf32, #tpu.memory_space<hbm>>
    %dma_wait3A_20 = arith.constant 0 : i32
    %dma_wait3A_21 = arith.constant 0 : i32
    %dma_wait3A_22 = tpu.memref_slice %arg4[%dma_wait3A_20, %dma_wait3A_21] : memref<100000x64xf32, #tpu.memory_space<hbm>> -> memref<256x64xf32, #tpu.memory_space<hbm>>
    tpu.wait_dma2 semaphore(%arg11 : memref<!tpu.dma_semaphore, #tpu.memory_space<semaphore_mem>>) src(%dma_wait3A_22 : memref<256x64xf32, #tpu.memory_space<hbm>>) dst(%arg7 : memref<256x64xf32, #tpu.memory_space<vmem>>)
    %dma_wait3A_23 = arith.constant 0 : i32
    %dma_wait3A_24 = tpu.memref_slice %arg2[%add3A_9, %dma_wait3A_23] : memref<16384x64xf32, #tpu.memory_space<hbm>> -> memref<256x64xf32, #tpu.memory_space<hbm>>
    %dma_wait3A_25 = arith.constant 0 : i32
    %dma_wait3A_26 = tpu.memref_slice %arg2[%add3A_9, %dma_wait3A_25] : memref<16384x64xf32, #tpu.memory_space<hbm>> -> memref<256x64xf32, #tpu.memory_space<hbm>>
    tpu.wait_dma2 semaphore(%arg13 : memref<!tpu.dma_semaphore, #tpu.memory_space<semaphore_mem>>) src(%dma_wait3A_26 : memref<256x64xf32, #tpu.memory_space<hbm>>) dst(%arg9 : memref<256x64xf32, #tpu.memory_space<vmem>>)
    %scan3A_27 = arith.constant 0 : i32
    %scan3A_28 = arith.constant 256 : i32
    %scan3A_29 = arith.addi %scan3A_27, %scan3A_28 : i32
    %scan3A_30 = arith.constant 1 : i32
    %scan3A_31:4 = scf.for %scan3A_64 = %scan3A_27 to %scan3A_29 step %scan3A_30 iter_args(%scan3A_65 = %broadcast_in_dim3A_7, %scan3A_66 = %broadcast_in_dim3A_7, %scan3A_67 = %broadcast_in_dim3A_7, %scan3A_68 = %broadcast_in_dim3A_7) -> (vector<16xf32>, vector<16xf32>, vector<16xf32>, vector<16xf32>)  : i32 {
      %get3A = arith.index_cast %scan3A_64 : i32 to index
      %get3A_69 = arith.constant 0 : index
      %get3A_70 = tpu.vector_load %arg9[%get3A, %get3A_69] {strides = array<i32>} : memref<256x64xf32, #tpu.memory_space<vmem>>, vector<1x16xf32>,
      %get3A_71 = vector.shape_cast %get3A_70 : vector<1x16xf32> to vector<16xf32>
      %get3A_72 = arith.index_cast %scan3A_64 : i32 to index
      %get3A_73 = arith.constant 0 : index
      %get3A_74 = tpu.vector_load %arg7[%get3A_72, %get3A_73] {strides = array<i32>} : memref<256x64xf32, #tpu.memory_space<vmem>>, vector<1x16xf32>,
      %get3A_75 = vector.shape_cast %get3A_74 : vector<1x16xf32> to vector<16xf32>
      %sub3A = arith.subf %get3A_71, %get3A_75 : vector<16xf32>
      %mul3A_76 = arith.mulf %sub3A, %sub3A : vector<16xf32>
      %add3A_77 = arith.addf %scan3A_65, %mul3A_76 : vector<16xf32>
      %get3A_78 = arith.index_cast %scan3A_64 : i32 to index
      %get3A_79 = arith.constant 16 : index
      %get3A_80 = tpu.vector_load %arg9[%get3A_78, %get3A_79] {strides = array<i32>} : memref<256x64xf32, #tpu.memory_space<vmem>>, vector<1x16xf32>,
      %get3A_81 = vector.shape_cast %get3A_80 : vector<1x16xf32> to vector<16xf32>
      %get3A_82 = arith.index_cast %scan3A_64 : i32 to index
      %get3A_83 = arith.constant 16 : index
      %get3A_84 = tpu.vector_load %arg7[%get3A_82, %get3A_83] {strides = array<i32>} : memref<256x64xf32, #tpu.memory_space<vmem>>, vector<1x16xf32>,
      %get3A_85 = vector.shape_cast %get3A_84 : vector<1x16xf32> to vector<16xf32>
      %sub3A_86 = arith.subf %get3A_81, %get3A_85 : vector<16xf32>
      %mul3A_87 = arith.mulf %sub3A_86, %sub3A_86 : vector<16xf32>
      %add3A_88 = arith.addf %scan3A_66, %mul3A_87 : vector<16xf32>
      %get3A_89 = arith.index_cast %scan3A_64 : i32 to index
      %get3A_90 = arith.constant 32 : index
      %get3A_91 = tpu.vector_load %arg9[%get3A_89, %get3A_90] {strides = array<i32>} : memref<256x64xf32, #tpu.memory_space<vmem>>, vector<1x16xf32>,
      %get3A_92 = vector.shape_cast %get3A_91 : vector<1x16xf32> to vector<16xf32>
      %get3A_93 = arith.index_cast %scan3A_64 : i32 to index
      %get3A_94 = arith.constant 32 : index
      %get3A_95 = tpu.vector_load %arg7[%get3A_93, %get3A_94] {strides = array<i32>} : memref<256x64xf32, #tpu.memory_space<vmem>>, vector<1x16xf32>,
      %get3A_96 = vector.shape_cast %get3A_95 : vector<1x16xf32> to vector<16xf32>
      %sub3A_97 = arith.subf %get3A_92, %get3A_96 : vector<16xf32>
      %mul3A_98 = arith.mulf %sub3A_97, %sub3A_97 : vector<16xf32>
      %add3A_99 = arith.addf %scan3A_67, %mul3A_98 : vector<16xf32>
      %get3A_100 = arith.index_cast %scan3A_64 : i32 to index
      %get3A_101 = arith.constant 48 : index
      %get3A_102 = tpu.vector_load %arg9[%get3A_100, %get3A_101] {strides = array<i32>} : memref<256x64xf32, #tpu.memory_space<vmem>>, vector<1x16xf32>,
      %get3A_103 = vector.shape_cast %get3A_102 : vector<1x16xf32> to vector<16xf32>
      %get3A_104 = arith.index_cast %scan3A_64 : i32 to index
      %get3A_105 = arith.constant 48 : index
      %get3A_106 = tpu.vector_load %arg7[%get3A_104, %get3A_105] {strides = array<i32>} : memref<256x64xf32, #tpu.memory_space<vmem>>, vector<1x16xf32>,
      %get3A_107 = vector.shape_cast %get3A_106 : vector<1x16xf32> to vector<16xf32>
      %sub3A_108 = arith.subf %get3A_103, %get3A_107 : vector<16xf32>
      %mul3A_109 = arith.mulf %sub3A_108, %sub3A_108 : vector<16xf32>
      %add3A_110 = arith.addf %scan3A_68, %mul3A_109 : vector<16xf32>
      scf.yield %add3A_77, %add3A_88, %add3A_99, %add3A_110 : vector<16xf32>, vector<16xf32>, vector<16xf32>, vector<16xf32>
    }
    %scan3A_32 = arith.constant 256 : i32
    %add3A_33 = arith.constant 256 : i32
    %add3A_34 = arith.addi %mul3A_2, %add3A_33 : i32
    %dma_start3A_35 = arith.constant 0 : i32
    %dma_start3A_36 = tpu.memref_slice %arg2[%add3A_34, %dma_start3A_35] : memref<16384x64xf32, #tpu.memory_space<hbm>> -> memref<256x64xf32, #tpu.memory_space<hbm>>
    %dma_start3A_37 = arith.constant 0 : i32
    %dma_start3A_38 = tpu.memref_slice %arg2[%add3A_34, %dma_start3A_37] : memref<16384x64xf32, #tpu.memory_space<hbm>> -> memref<256x64xf32, #tpu.memory_space<hbm>>
    tpu.enqueue_dma source(%dma_start3A_38 : memref<256x64xf32, #tpu.memory_space<hbm>>) target(%arg9 : memref<256x64xf32, #tpu.memory_space<vmem>>) target_semaphore(%arg13 : memref<!tpu.dma_semaphore, #tpu.memory_space<semaphore_mem>>)
    %dma_wait3A_39 = arith.constant 0 : i32
    %dma_wait3A_40 = arith.constant 0 : i32
    %dma_wait3A_41 = tpu.memref_slice %arg4[%dma_wait3A_39, %dma_wait3A_40] : memref<100000x64xf32, #tpu.memory_space<hbm>> -> memref<256x64xf32, #tpu.memory_space<hbm>>
    %dma_wait3A_42 = arith.constant 0 : i32
    %dma_wait3A_43 = arith.constant 0 : i32
    %dma_wait3A_44 = tpu.memref_slice %arg4[%dma_wait3A_42, %dma_wait3A_43] : memref<100000x64xf32, #tpu.memory_space<hbm>> -> memref<256x64xf32, #tpu.memory_space<hbm>>
    tpu.wait_dma2 semaphore(%arg12 : memref<!tpu.dma_semaphore, #tpu.memory_space<semaphore_mem>>) src(%dma_wait3A_44 : memref<256x64xf32, #tpu.memory_space<hbm>>) dst(%arg8 : memref<256x64xf32, #tpu.memory_space<vmem>>)
    %dma_wait3A_45 = arith.constant 0 : i32
    %dma_wait3A_46 = tpu.memref_slice %arg2[%add3A_34, %dma_wait3A_45] : memref<16384x64xf32, #tpu.memory_space<hbm>> -> memref<256x64xf32, #tpu.memory_space<hbm>>
    %dma_wait3A_47 = arith.constant 0 : i32
    %dma_wait3A_48 = tpu.memref_slice %arg2[%add3A_34, %dma_wait3A_47] : memref<16384x64xf32, #tpu.memory_space<hbm>> -> memref<256x64xf32, #tpu.memory_space<hbm>>
    tpu.wait_dma2 semaphore(%arg13 : memref<!tpu.dma_semaphore, #tpu.memory_space<semaphore_mem>>) src(%dma_wait3A_48 : memref<256x64xf32, #tpu.memory_space<hbm>>) dst(%arg9 : memref<256x64xf32, #tpu.memory_space<vmem>>)
    %scan3A_49 = arith.constant 0 : i32
    %scan3A_50 = arith.constant 256 : i32
    %scan3A_51 = arith.addi %scan3A_49, %scan3A_50 : i32
    %scan3A_52 = arith.constant 1 : i32
    %scan3A_53:4 = scf.for %scan3A_64 = %scan3A_49 to %scan3A_51 step %scan3A_52 iter_args(%scan3A_65 = %scan3A_31#0, %scan3A_66 = %scan3A_31#1, %scan3A_67 = %scan3A_31#2, %scan3A_68 = %scan3A_31#3) -> (vector<16xf32>, vector<16xf32>, vector<16xf32>, vector<16xf32>)  : i32 {
      %get3A = arith.index_cast %scan3A_64 : i32 to index
      %get3A_69 = arith.constant 0 : index
      %get3A_70 = tpu.vector_load %arg9[%get3A, %get3A_69] {strides = array<i32>} : memref<256x64xf32, #tpu.memory_space<vmem>>, vector<1x16xf32>,
      %get3A_71 = vector.shape_cast %get3A_70 : vector<1x16xf32> to vector<16xf32>
      %get3A_72 = arith.index_cast %scan3A_64 : i32 to index
      %get3A_73 = arith.constant 0 : index
      %get3A_74 = tpu.vector_load %arg8[%get3A_72, %get3A_73] {strides = array<i32>} : memref<256x64xf32, #tpu.memory_space<vmem>>, vector<1x16xf32>,
      %get3A_75 = vector.shape_cast %get3A_74 : vector<1x16xf32> to vector<16xf32>
      %sub3A = arith.subf %get3A_71, %get3A_75 : vector<16xf32>
      %mul3A_76 = arith.mulf %sub3A, %sub3A : vector<16xf32>
      %add3A_77 = arith.addf %scan3A_65, %mul3A_76 : vector<16xf32>
      %get3A_78 = arith.index_cast %scan3A_64 : i32 to index
      %get3A_79 = arith.constant 16 : index
      %get3A_80 = tpu.vector_load %arg9[%get3A_78, %get3A_79] {strides = array<i32>} : memref<256x64xf32, #tpu.memory_space<vmem>>, vector<1x16xf32>,
      %get3A_81 = vector.shape_cast %get3A_80 : vector<1x16xf32> to vector<16xf32>
      %get3A_82 = arith.index_cast %scan3A_64 : i32 to index
      %get3A_83 = arith.constant 16 : index
      %get3A_84 = tpu.vector_load %arg8[%get3A_82, %get3A_83] {strides = array<i32>} : memref<256x64xf32, #tpu.memory_space<vmem>>, vector<1x16xf32>,
      %get3A_85 = vector.shape_cast %get3A_84 : vector<1x16xf32> to vector<16xf32>
      %sub3A_86 = arith.subf %get3A_81, %get3A_85 : vector<16xf32>
      %mul3A_87 = arith.mulf %sub3A_86, %sub3A_86 : vector<16xf32>
      %add3A_88 = arith.addf %scan3A_66, %mul3A_87 : vector<16xf32>
      %get3A_89 = arith.index_cast %scan3A_64 : i32 to index
      %get3A_90 = arith.constant 32 : index
      %get3A_91 = tpu.vector_load %arg9[%get3A_89, %get3A_90] {strides = array<i32>} : memref<256x64xf32, #tpu.memory_space<vmem>>, vector<1x16xf32>,
      %get3A_92 = vector.shape_cast %get3A_91 : vector<1x16xf32> to vector<16xf32>
      %get3A_93 = arith.index_cast %scan3A_64 : i32 to index
      %get3A_94 = arith.constant 32 : index
      %get3A_95 = tpu.vector_load %arg8[%get3A_93, %get3A_94] {strides = array<i32>} : memref<256x64xf32, #tpu.memory_space<vmem>>, vector<1x16xf32>,
      %get3A_96 = vector.shape_cast %get3A_95 : vector<1x16xf32> to vector<16xf32>
      %sub3A_97 = arith.subf %get3A_92, %get3A_96 : vector<16xf32>
      %mul3A_98 = arith.mulf %sub3A_97, %sub3A_97 : vector<16xf32>
      %add3A_99 = arith.addf %scan3A_67, %mul3A_98 : vector<16xf32>
      %get3A_100 = arith.index_cast %scan3A_64 : i32 to index
      %get3A_101 = arith.constant 48 : index
      %get3A_102 = tpu.vector_load %arg9[%get3A_100, %get3A_101] {strides = array<i32>} : memref<256x64xf32, #tpu.memory_space<vmem>>, vector<1x16xf32>,
      %get3A_103 = vector.shape_cast %get3A_102 : vector<1x16xf32> to vector<16xf32>
      %get3A_104 = arith.index_cast %scan3A_64 : i32 to index
      %get3A_105 = arith.constant 48 : index
      %get3A_106 = tpu.vector_load %arg8[%get3A_104, %get3A_105] {strides = array<i32>} : memref<256x64xf32, #tpu.memory_space<vmem>>, vector<1x16xf32>,
      %get3A_107 = vector.shape_cast %get3A_106 : vector<1x16xf32> to vector<16xf32>
      %sub3A_108 = arith.subf %get3A_103, %get3A_107 : vector<16xf32>
      %mul3A_109 = arith.mulf %sub3A_108, %sub3A_108 : vector<16xf32>
      %add3A_110 = arith.addf %scan3A_68, %mul3A_109 : vector<16xf32>
      scf.yield %add3A_77, %add3A_88, %add3A_99, %add3A_110 : vector<16xf32>, vector<16xf32>, vector<16xf32>, vector<16xf32>
    }
    %scan3A_54 = arith.constant 256 : i32
    %add3A_55 = arith.addf %scan3A_53#0, %scan3A_53#1 : vector<16xf32>
    %add3A_56 = arith.addf %add3A_55, %scan3A_53#2 : vector<16xf32>
    %add3A_57 = arith.addf %add3A_56, %scan3A_53#3 : vector<16xf32>
    %mul3A_58 = arith.constant 9.53674316E-7 : f32
    %mul3A_59 = vector.broadcast %mul3A_58 : f32 to vector<16xf32>
    %mul3A_60 = arith.mulf %add3A_57, %mul3A_59 : vector<16xf32>
    %swap3A = arith.constant 0 : index
    %swap3A_61 = tpu.vector_load %arg10[%swap3A] {strides = array<i32>} : memref<16xf32, #tpu.memory_space<vmem>>, vector<16xf32>,
    %swap3A_62 = vector.shape_cast %swap3A_61 : vector<16xf32> to vector<16xf32>
    %swap3A_63 = vector.shape_cast %mul3A_60 : vector<16xf32> to vector<16xf32>
    tpu.vector_store %arg10[%swap3A], %swap3A_63 {strides = array<i32>} : memref<16xf32, #tpu.memory_space<vmem>>, vector<16xf32>,
    "tpu.region"() ({
      %run_scoped3A = tpu.sem_alloc : memref<!tpu.dma_semaphore, #tpu.memory_space<semaphore_mem>>
      %dma_start3A_64 = arith.constant 0 : i32
      %dma_start3A_65 = tpu.memref_slice %arg5[%add3A, %dma_start3A_64] : memref<32x16xf32, #tpu.memory_space<hbm>> -> memref<1x16xf32, #tpu.memory_space<hbm>>
      %dma_start3A_66 = tpu.memref_squeeze %dma_start3A_65 : memref<1x16xf32, #tpu.memory_space<hbm>> -> memref<16xf32, #tpu.memory_space<hbm>>
      %dma_start3A_67 = arith.constant 0 : i32
      %dma_start3A_68 = tpu.memref_slice %arg5[%add3A, %dma_start3A_67] : memref<32x16xf32, #tpu.memory_space<hbm>> -> memref<1x16xf32, #tpu.memory_space<hbm>>
      %dma_start3A_69 = tpu.memref_squeeze %dma_start3A_68 : memref<1x16xf32, #tpu.memory_space<hbm>> -> memref<16xf32, #tpu.memory_space<hbm>>
      tpu.enqueue_dma source(%arg10 : memref<16xf32, #tpu.memory_space<vmem>>) target(%dma_start3A_69 : memref<16xf32, #tpu.memory_space<hbm>>) target_semaphore(%run_scoped3A : memref<!tpu.dma_semaphore, #tpu.memory_space<semaphore_mem>>)
      %dma_wait3A_70 = arith.constant 0 : i32
      %dma_wait3A_71 = tpu.memref_slice %arg5[%add3A, %dma_wait3A_70] : memref<32x16xf32, #tpu.memory_space<hbm>> -> memref<1x16xf32, #tpu.memory_space<hbm>>
      %dma_wait3A_72 = tpu.memref_squeeze %dma_wait3A_71 : memref<1x16xf32, #tpu.memory_space<hbm>> -> memref<16xf32, #tpu.memory_space<hbm>>
      %dma_wait3A_73 = arith.constant 0 : i32
      %dma_wait3A_74 = tpu.memref_slice %arg5[%add3A, %dma_wait3A_73] : memref<32x16xf32, #tpu.memory_space<hbm>> -> memref<1x16xf32, #tpu.memory_space<hbm>>
      %dma_wait3A_75 = tpu.memref_squeeze %dma_wait3A_74 : memref<1x16xf32, #tpu.memory_space<hbm>> -> memref<16xf32, #tpu.memory_space<hbm>>
      tpu.wait_dma2 semaphore(%run_scoped3A : memref<!tpu.dma_semaphore, #tpu.memory_space<semaphore_mem>>) src(%arg10 : memref<16xf32, #tpu.memory_space<vmem>>) dst(%dma_wait3A_75 : memref<16xf32, #tpu.memory_space<hbm>>)
      tpu.yield
    }) : () -> ()
    return
  }
}

</mosaic_0001>

<sc_bundles>
// kernel: kernel.3.cloned.1.call-start
scs
__scs_entry_jumppad:
0x0: {  	(pc) =	sbr.rel $0x88, $3  }
0x1: {  	(tag) =	ssettag $0x0;
	lr =	simm.s32 $0x1  }
0x2: {  	[smem:$0x3F9E] =	sst lr;
	_ =	strace $0xD0000000  }
0x3: {  	_ = 	snop  }
0x4: {  	_ = 	snop  }
0x5: {  	_ = 	snop  }
0x6: {  	_ = 	snop  }
0x7: {  	_ = 	snop  }
__scs_overlays_trampoline_lowered:
0x8: {  	[smem:$0x3FAD] =	sst s0  }
0x9: {  	[smem:$0x3FAE] =	sst s1  }
0xa: {  	[smem:$0x3FAF] =	sst s2  }
0xb: {  	[smem:$0x3FB0] =	sst s3  }
0xc: {  	[smem:$0x3FB1] =	sst s4  }
0xd: {  	[smem:$0x3FB2] =	sst s5  }
0xe: {  	[smem:$0x3FB3] =	sst s6  }
0xf: {  	[smem:$0x3FB4] =	sst s7  }
0x10: {  	[smem:$0x3FB5] =	sst s8  }
0x11: {  	[smem:$0x3FB6] =	sst s9;
	s0 =	simm.s32 @!p0 $0x0  }
0x12: {  	s1 =	sld [smem:$0x3F9C];
	s0 =	simm.s32 @p0 $0x1  }
0x13: {  	[smem:$0x3FB7] =	sst s0;
	s0 =	simm.s32 @!p1 $0x0  }
0x14: {  	s2 =	sld [smem:$0x3F9B];
	s0 =	simm.s32 @p1 $0x1  }
0x15: {  	[smem:$0x3FB8] =	sst s0;
	s0 =	simm.s32 @!p2 $0x0  }
0x16: {  	s3 =	sld [smem:$0x3FDB];
	s0 =	simm.s32 @p2 $0x1  }
0x17: {  	s4 =	simm.s32 $0x1BF5;
	[smem:$0x3FBA] =	sst s0  }
0x18: {  	s0 =	sld [smem:$0x3F9D];
	_ =	swait.ge [sflag:s4], $0x0  }
0x19: {  	s7 =	sld [smem:$0x3F9E]  }
0x1a: {  	s8 =	sadd.s32 $0xFFFFE003, lr  }
0x1b: {  	s9 =	sadd.s32 $0xFFFFFEF7, lr;
	s5 =	simm.s32 $0xFFFFFFFF;
	p2 =	slt.u32 s8, $0xFFFFF086  }
0x1c: {  	p1 =	slt.u32 s9, $0xF7A;
	s5 =	simm.s32 @!p2 $0x0  }
0x1d: {  	s5 =	simm.s32 @p1 $0x1;
	p0 =	seq.s32 s7, s2  }
0x1e: {  	s7 =	smul.u32 @!p0 $0xF7A, s2;
	p2 =	seq.s32 @!p0 s5, $0x0  }
0x1f: {  	s9 =	smul.u32 $0xF7A, s1;
	s8 =	simm.s32 @!p0 $0x1BF5;
	p2 =	por !p2, p0  }
0x20: {  	[sflag:s8] =	ssyncset.s32 @!p0 $0xFFFFF086;
	s6 =	sadd.s32 @!p0 s3, s7;
	s7 =	simm.s32 @!p0 $0x108  }
0x21: {  	s3 =	sadd.s32 s3, s9;
	s6 =	sadd.s32 @!p0 $0x88, s6;
	s7 =	simm.s32 @p2 $0x1082  }
0x22: {  	[simem:s7], [sflag:s8] =	dma.local @!p0 [hbm:s6], $0xF7A  }
0x23: {  	s9 =	sor.u32 $0xD0000000, s2;
	s6 =	simm.s32 $0x108;
	_ =	swait.ge @!p0 [sflag:s8], $0x0  }
0x24: {  	s3 =	sadd.s32 $0x88, s3;
	s6 =	simm.s32 @!p1 $0x1082;
	[sflag:s4] =	ssyncset.s32 $0xFFFFF086  }
0x25: {  	[simem:s6], [sflag:s4] =	dma.local [hbm:s3], $0xF7A  }
0x26: {  	[smem:$0x3F9E] =	sst s1;
	(tag) =	ssettag s2;
	_ =	strace s9  }
0x27: {  	s1 =	sld [smem:$0x3FAE]  }
0x28: {  	s2 =	sld [smem:$0x3FAF]  }
0x29: {  	s4 =	sld [smem:$0x3FB1]  }
0x2a: {  	p0 =	seq.s32 s5, $0x0;
	s5 =	sld [smem:$0x3FB2]  }
0x2b: {  	s6 =	sld [smem:$0x3FB3]  }
0x2c: {  	s7 =	sld [smem:$0x3FB4]  }
0x2d: {  	s3 =	simm.s32 $0x108;
	s8 =	sld [smem:$0x3FB5]  }
0x2e: {  	s3 =	simm.s32 @!p0 $0x1082;
	s9 =	sld [smem:$0x3FB6]  }
0x2f: {  	lr =	sadd.s32 s0, s3;
	s0 =	sld [smem:$0x3FAD]  }
0x30: {  	s3 =	sld [smem:$0x3FB0]  }
0x31: {  	[smem:$0x3FB9] =	sst s10  }
0x32: {  	s10 =	sld [smem:$0x3FB7];
	_ =	sdelay $0x3  }
0x33: {  	p0 =	seq.s32 s10, $0x1;
	s10 =	sld [smem:$0x3FB9];
	_ =	sdelay $0x3  }
0x34: {  	[smem:$0x3FB9] =	sst s10  }
0x35: {  	s10 =	sld [smem:$0x3FB8];
	_ =	sdelay $0x3  }
0x36: {  	p1 =	seq.s32 s10, $0x1;
	s10 =	sld [smem:$0x3FB9];
	_ =	sdelay $0x3  }
0x37: {  	[smem:$0x3FB9] =	sst s10  }
0x38: {  	s10 =	sld [smem:$0x3FBA]  }
0x39: {  	_ = 	snop;
	(pc) =	sbr.ind lr, $3  }
0x3a: {  	_ = 	snop  }
0x3b: {  	_ = 	snop  }
0x3c: {  	p2 =	seq.s32 s10, $0x1;
	s10 =	sld [smem:$0x3FB9]  }
0x3d: {  	_ =	shalt  }
0x3e: {  	_ =	shalt  }
0x3f: {  	_ =	shalt  }
0x40: {  	_ =	shalt  }
0x41: {  	_ =	shalt  }
0x42: {  	_ =	shalt  }
0x43: {  	_ =	shalt  }
0x44: {  	_ =	shalt  }
0x45: {  	_ =	shalt  }
0x46: {  	_ =	shalt  }
0x47: {  	_ =	shalt  }
0x48: {  	_ =	shalt  }
0x49: {  	_ =	shalt  }
0x4a: {  	_ =	shalt  }
0x4b: {  	_ =	shalt  }
0x4c: {  	_ =	shalt  }
0x4d: {  	_ =	shalt  }
0x4e: {  	_ =	shalt  }
0x4f: {  	_ =	shalt  }
0x50: {  	_ =	shalt  }
0x51: {  	_ =	shalt  }
0x52: {  	_ =	shalt  }
0x53: {  	_ =	shalt  }
0x54: {  	_ =	shalt  }
0x55: {  	_ =	shalt  }
0x56: {  	_ =	shalt  }
0x57: {  	_ =	shalt  }
0x58: {  	_ =	shalt  }
0x59: {  	_ =	shalt  }
0x5a: {  	_ =	shalt  }
0x5b: {  	_ =	shalt  }
0x5c: {  	_ =	shalt  }
0x5d: {  	_ =	shalt  }
0x5e: {  	_ =	shalt  }
0x5f: {  	_ =	shalt  }
0x60: {  	_ =	shalt  }
0x61: {  	_ =	shalt  }
0x62: {  	_ =	shalt  }
0x63: {  	_ =	shalt  }
0x64: {  	_ =	shalt  }
0x65: {  	_ =	shalt  }
0x66: {  	_ =	shalt  }
0x67: {  	_ =	shalt  }
0x68: {  	_ =	shalt  }
0x69: {  	_ =	shalt  }
0x6a: {  	_ =	shalt  }
0x6b: {  	_ =	shalt  }
0x6c: {  	_ =	shalt  }
0x6d: {  	_ =	shalt  }
0x6e: {  	_ =	shalt  }
0x6f: {  	_ =	shalt  }
0x70: {  	_ =	shalt  }
0x71: {  	_ =	shalt  }
0x72: {  	_ =	shalt  }
0x73: {  	_ =	shalt  }
0x74: {  	_ =	shalt  }
0x75: {  	_ =	shalt  }
0x76: {  	_ =	shalt  }
0x77: {  	_ =	shalt  }
0x78: {  	_ =	shalt  }
0x79: {  	_ =	shalt  }
0x7a: {  	_ =	shalt  }
0x7b: {  	_ =	shalt  }
0x7c: {  	_ =	shalt  }
0x7d: {  	_ =	shalt  }
0x7e: {  	_ =	shalt  }
0x7f: {  	_ =	shalt  }
0x80: {  	_ =	shalt  }
0x81: {  	_ =	shalt  }
0x82: {  	_ =	shalt  }
0x83: {  	_ =	shalt  }
0x84: {  	_ =	shalt  }
0x85: {  	_ =	shalt  }
0x86: {  	_ =	shalt  }
0x87: {  	_ =	shalt  }
.Lfunc_end0:
.L_simem_size_0:
called_computation_lowered:
.L_overlay_start_0:
0x88: {  	s2 =	sld [smem:$0x3FD9]  }
0x89: {  	s3 =	sld [smem:$0x3FFE];
	_ =	sdelay $0x1  }
0x8a: {  	s1 =	srdreg.scid  }
0x8b: {  	s0 =	sand.u32 $0x1, s1  }
0x8c: {  	s17 =	sshll.u32 s0, $0xA;
	s2 =	sadd.s32 s3, s2  }
0x8d: {  	s2 =	sadd.s32 s2, s17  }
0x8e: {  	[smem:$0x3FC5] =	sst s2  }
0x8f: {  	_ = 	snop  }
0x90: {  	s2 =	sld [smem:$0x3FC8];
	(tm) =	ssettm $0x1  }
0x91: {  	s18 =	sld [smem:$0x3FFB];
	_ =	sdelay $0x3  }
0x92: {  	_ =	strace s18  }
0x93: {  	s3 =	sld [smem:$0x3FFC];
	_ =	sdelay $0x3  }
0x94: {  	_ =	strace s3  }
0x95: {  	s3 =	sld [smem:$0x3FFD];
	_ =	sdelay $0x3  }
0x96: {  	_ =	strace s3  }
0x97: {  	_ =	strace $0x8FFFFFFF  }
0x98: {  	s19 =	sld [smem:$0x3FDB];
	_ =	sdelay $0x1  }
0x99: {  	s4 =	simm.s32 $_scs_section_size  }
0x9a: {  	s5 =	simm.s32 $_size__tile_overlayer_lowered;
	s6 =	simm.s32 $_tile_overlayer_lowered  }
0x9b: {  	s22 =	simm.s32 $0x1BFF;
	s21 =	sshll.u32 s6, $0x1;
	s3 =	sadd.s32 s4, s19  }
0x9c: {  	s7 =	simm.s32 $0x0;
	s20 =	sshll.u32 s5, $0x1;
	s5 =	sadd.s32 s21, s3  }
0x9d: {  	[timem:s7], [sflag:s22] =	dma.local [hbm:s5], s20  }
0x9e: {  	_ =	swait.ge [sflag:s22], s20  }
0x9f: {  	s4 =	ssub.s32 $0x0, s20;
	[sflag:s22] =	ssyncset.done $0x0  }
0xa0: {  	[sflag:s22] =	ssyncadd.s32 s4;
	_ =	sdelay $0x1  }
0xa1: {  	s23 =	simm.s32 $0x1B8B  }
0xa2: {  	_ =	swait.ge [sflag:s23], $0x1  }
0xa3: {  	[sflag:s23] =	ssyncset.done $0x0  }
0xa4: {  	s25 =	simm.s32 $0x1B8E;
	s24 =	sld [smem:$0x3FFE];
	[sflag:s23] =	ssyncadd.s32 $0xFFFFFFFF  }
0xa5: {  	s26 =	simm.s32 $execute0_lowered;
	[smem:$0x3FD2] =	sst s25  }
0xa6: {  	s5 =	sshll.u32 s26, $0x1;
	_ =	strace $0x80000046;
	[dreg:$0x1] =	wrdreg $0xFFFFFFFF  }
0xa7: {  	s28 =	simm.s32 $_size_execute0_lowered;
	s3 =	sadd.s32 s3, s5;
	[dreg:$0x0] =	wrdreg $0x0  }
0xa8: {  	s5 =	sshll.u32 s28, $0x1;
	[dreg:$0x2] =	wrdreg s3  }
0xa9: {  	[dreg:$0x3] =	wrdreg s5  }
0xaa: {  	[dreg:$0x4] =	wrdreg $0xC0  }
0xab: {  	_ =	task [dreg:s7], $0x5FFFF  }
0xac: {  	[dreg:$0x1] =	wrdreg $0xFFFFFFFF  }
0xad: {  	[dreg:$0x0] =	wrdreg $0x60  }
0xae: {  	[dreg:$0x2] =	wrdreg s24  }
0xaf: {  	[dreg:$0x3] =	wrdreg s2  }
0xb0: {  	[dreg:$0x4] =	wrdreg $0x9  }
0xb1: {  	_ =	task.clear_ibuf [dreg:s7], $0x5FFFF;
	_ =	strace $0x90000046  }
0xb2: {  	s29 =	simm.s32 $0x9;
	_ =	strace $0x80000048  }
0xb3: {  	_ =	swait.ge [sflag:s29], $0x1  }
0xb4: {  	[sflag:s29] =	ssyncadd.s32 $0xFFFFFFFF  }
0xb5: {  	_ =	strace $0x90000048  }
0xb6: {  	_ =	sfence  }
0xb7: {  	s30 =	sld [smem:$0x0];
	_ =	sdelay $0x2  }
0xb8: {  	s31 =	sshll.u32 s1, $0xD;
	s1 =	sshrl.u32 s1, $0x2  }
0xb9: {  	s3 =	sand.u32 $0x4000, s31;
	s1 =	sadd.s32 s1, s30  }
0xba: {  	s0 =	sor.u32 s3, s0;
	s1 =	sshll.u32 s1, $0x11  }
0xbb: {  	s0 =	sor.u32 s1, s0  }
0xbc: {  	s0 =	sadd.s32 $0x8F2B, s0  }
0xbd: {  	[sflag:s0] =	ssyncadd.remote.s32 $0x1  }
0xbe: {  	_ =	sfence.sel $0xFFFF  }
0xbf: {  	[dreg:$0x0] =	wrdreg $0xFFFFFFFF;
	(pc) =	sbr.abs _section_cstart, $3  }
0xc0: {  	[dreg:$0x1] =	wrdreg $0xFFFFFFFF  }
0xc1: {  	_ =	task.clear_ibuf [dreg:s7], $0x2FFFF;
	_ =	strace $0x9FFFFFFF  }
0xc2: {  	(tm) =	ssettm $0x7FFFFFFF  }
0xc3: {  	_ =	shalt  }
tec
execute0_lowered:
.L_overlay_start_1:
0x0: {  	(tag) =	ssettag $0x1  }
0x1: {  	s4 =	rddreg [dreg:$0x0]  }
0x2: {  	s5 =	rddreg [dreg:$0x1]  }
0x3: {  	s3 =	srdreg.scid;
	s0 =	stileid.u32;
	s2 =	simm.s32 $0x0  }
0x4: {  	s11 =	simm.s32 $0x1;
	s12 =	simm.s32 $0x3;
	s13 =	simm.s32 $0x2  }
0x5: {  	s15 =	simm.s32 $0x0;
	s6 =	sand.u32 $0x1, s3;
	s29 =	sshll.u32 s0, $0x1  }
0x6: {  	[smem:$0x7FF] =	sst s2;
	s3 =	sadd.s32 $0x40000, s4;
	s7 =	sor.u32 s6, s29  }
0x7: {  	_ =	strace $0x80000047;
	s6 =	ssub.s32 $0x2, s6;
	s8 =	sshll.u32 s7, $0x4  }
0x8: {  	s9 =	sshll.u32 s7, $0xD;
	s10 =	sshrl.u32 s6, $0x1;
	s7 =	sshll.u32 s7, $0x6  }
0x9: {  	s8 =	sadd.s32 s8, s4;
	s4 =	sadd.s32 s4, s9;
	s31 =	sadd.s32 s5, s7  }
0xa: {  	s30 =	ssub.s32 s6, s10;
	s9 =	simm.s32 $0x4;
	[dreg:$0x3] =	wrdreg s31  }
0xb: {  	s6 =	sadd.s32 $0x1000, s4;
	s7 =	sadd.s32 $0x1C6A00, s8;
	s8 =	smax.u32 s30, $0x1  }
.LBB2_1:
0xc: {  	s0 =	rddreg [dreg:$0x3]  }
0xd: {  	[tilespmem:s2], [sflag:$0x4] =	stream.linear.gather [hbm4b:s0+s2], $0x200, $0x38;
	[tilespmem:$0x18280] =	vst v63  }
0xe: {  	_ =	swait.ge [sflag:s9], $0x200  }
0xf: {  	[sflag:s9] =	ssyncset.done $0x0  }
0x10: {  	[sflag:s9] =	ssyncadd.s32 $0xFFFFFE00  }
0x11: {  	v0 =	vld [tilespmem:s2+$0x0];
	_ =	sdelay $0x4  }
0x12: {  	v0 =	vshll.u32 v0, $0x4  }
0x13: {  	(v2sf) =	vpush v0, $0x0  }
0x14: {  	(v2sf) =	vpush v0, $0x1  }
0x15: {  	(v2sf) =	vpush v0, $0x2;
	_ =	sdelay $0x1  }
0x16: {  	(v2sf) =	vpush v0, $0x4;
	_ =	sdelay $0x1  }
0x17: {  	(v2sf) =	vpush v0, $0x3  }
0x18: {  	(v2sf) =	vpush v0, $0x5  }
0x19: {  	s17 =	simm.s32 $0x2000;
	s16 =	simm.s32 $0x0;
	s18 =	simm.s32 $0x0;
	(v2sf) =	vpush v0, $0x6  }
.LBB2_2:
0x1a: {  	p0 =	sne.s32 s17, $0x1E000  }
0x1b: {  	s29 =	sadd.s32 $0x280, s16;
	s22 =	sadd.s32 $0x780, s16;
	s19 =	smov.u32 s17  }
0x1c: {  	s17 =	sadd.s32 $0x2000, s17;
	s25 =	sadd.s32 $0x580, s16;
	s20 =	sadd.s32 $0x800, s16;
	(v2sf) =	vpush v0, $0x7  }
0x1d: {  	s28 =	sadd.s32 $0x480, s16;
	s24 =	sadd.s32 $0x600, s16;
	s21 =	sadd.s32 $0x880, s16  }
0x1e: {  	s30 =	sadd.s32 $0x200, s16;
	s31 =	sadd.s32 $0x400, s16;
	(v2sf) =	vpush v0, $0x8  }
0x1f: {  	s0 =	sadd.s32 $0x500, s16;
	s18 =	sadd.s32 $0x10, s18  }
0x20: {  	s1 =	sadd.s32 $0x300, s16;
	s23 =	sadd.s32 $0x700, s16;
	s26 =	spop (v2sf);
	(v2sf) =	vpush v0, $0x9  }
0x21: {  	s14 =	sand.u32 $0x1FFFFFF0, s26;
	s26 =	sadd.s32 $0x680, s16;
	s10 =	spop (v2sf)  }
0x22: {  	s14 =	sadd.s32 s3, s14;
	s10 =	sand.u32 $0x1FFFFFF0, s10;
	s5 =	spop (v2sf);
	(v2sf) =	vpush v0, $0xA  }
0x23: {  	[tilespmem:s30], [sflag:$0x1] =	stream.linear.gather [hbm4b:s14+s2], $0x80, $0x38;
	[tilespmem:$0x18280] =	vst v63  }
0x24: {  	s10 =	sadd.s32 s3, s10;
	s14 =	sadd.s32 $0x380, s16;
	s30 =	spop (v2sf);
	(v2sf) =	vpush v0, $0xB  }
0x25: {  	[tilespmem:s29], [sflag:$0x1] =	stream.linear.gather [hbm4b:s10+s2], $0x80, $0x38;
	[tilespmem:$0x18280] =	vst v63  }
0x26: {  	s5 =	sand.u32 $0x1FFFFFF0, s5;
	s10 =	sand.u32 $0x1FFFFFF0, s30;
	s29 =	spop (v2sf);
	(v2sf) =	vpush v0, $0xC  }
0x27: {  	s5 =	sadd.s32 s3, s5;
	s29 =	sand.u32 $0x1FFFFFF0, s29;
	s30 =	spop (v2sf)  }
0x28: {  	[tilespmem:s1], [sflag:$0x1] =	stream.linear.gather [hbm4b:s5+s2], $0x80, $0x38;
	(v2sf) =	vpush v0, $0xD;
	[tilespmem:$0x18280] =	vst v63  }
0x29: {  	s1 =	sadd.s32 s3, s29;
	s5 =	sand.u32 $0x1FFFFFF0, s30;
	s29 =	spop (v2sf)  }
0x2a: {  	[tilespmem:s14], [sflag:$0x1] =	stream.linear.gather [hbm4b:s1+s2], $0x80, $0x38;
	(v2sf) =	vpush v0, $0xE;
	[tilespmem:$0x18280] =	vst v63  }
0x2b: {  	s1 =	sadd.s32 s3, s10;
	s10 =	sand.u32 $0x1FFFFFF0, s29;
	s14 =	spop (v2sf)  }
0x2c: {  	[tilespmem:s31], [sflag:$0x1] =	stream.linear.gather [hbm4b:s1+s2], $0x80, $0x38;
	(v2sf) =	vpush v0, $0xF;
	[tilespmem:$0x18280] =	vst v63  }
0x2d: {  	s1 =	sadd.s32 s3, s5;
	s5 =	sand.u32 $0x1FFFFFF0, s14;
	s14 =	spop (v2sf)  }
0x2e: {  	[tilespmem:s28], [sflag:$0x1] =	stream.linear.gather [hbm4b:s1+s2], $0x80, $0x38;
	[tilespmem:$0x18280] =	vst v63  }
0x2f: {  	s1 =	sadd.s32 s3, s10;
	s10 =	sand.u32 $0x1FFFFFF0, s14;
	s14 =	spop (v2sf)  }
0x30: {  	[tilespmem:s0], [sflag:$0x1] =	stream.linear.gather [hbm4b:s1+s2], $0x80, $0x38;
	[tilespmem:$0x18280] =	vst v63  }
0x31: {  	s0 =	sadd.s32 s3, s5;
	s1 =	sand.u32 $0x1FFFFFF0, s14;
	s5 =	spop (v2sf)  }
0x32: {  	[tilespmem:s25], [sflag:$0x1] =	stream.linear.gather [hbm4b:s0+s2], $0x80, $0x38;
	[tilespmem:$0x18280] =	vst v63  }
0x33: {  	s0 =	sadd.s32 s3, s10;
	s5 =	sand.u32 $0x1FFFFFF0, s5;
	s10 =	spop (v2sf)  }
0x34: {  	[tilespmem:s24], [sflag:$0x1] =	stream.linear.gather [hbm4b:s0+s2], $0x80, $0x38;
	[tilespmem:$0x18280] =	vst v63  }
0x35: {  	s0 =	sadd.s32 s3, s1;
	s1 =	sand.u32 $0x1FFFFFF0, s10;
	s10 =	spop (v2sf)  }
0x36: {  	[tilespmem:s26], [sflag:$0x1] =	stream.linear.gather [hbm4b:s0+s2], $0x80, $0x38;
	[tilespmem:$0x18280] =	vst v63  }
0x37: {  	s0 =	sadd.s32 s3, s5;
	s5 =	sand.u32 $0x1FFFFFF0, s10;
	s10 =	spop (v2sf)  }
0x38: {  	[tilespmem:s23], [sflag:$0x1] =	stream.linear.gather [hbm4b:s0+s2], $0x80, $0x38;
	[tilespmem:$0x18280] =	vst v63  }
0x39: {  	s0 =	sadd.s32 s3, s1;
	s1 =	sand.u32 $0x1FFFFFF0, s10;
	s10 =	spop (v2sf)  }
0x3a: {  	[tilespmem:s22], [sflag:$0x1] =	stream.linear.gather [hbm4b:s0+s2], $0x80, $0x38;
	[tilespmem:$0x18280] =	vst v63  }
0x3b: {  	s0 =	sadd.s32 s3, s5;
	s5 =	sand.u32 $0x1FFFFFF0, s10;
	s10 =	spop (v2sf)  }
0x3c: {  	[tilespmem:s20], [sflag:$0x1] =	stream.linear.gather [hbm4b:s0+s2], $0x80, $0x38;
	[tilespmem:$0x18280] =	vst v63  }
0x3d: {  	s0 =	sadd.s32 s3, s1;
	s1 =	sand.u32 $0x1FFFFFF0, s10  }
0x3e: {  	[tilespmem:s21], [sflag:$0x1] =	stream.linear.gather [hbm4b:s0+s2], $0x80, $0x38;
	[tilespmem:$0x18280] =	vst v63  }
0x3f: {  	s5 =	sadd.s32 s3, s5;
	s0 =	sadd.s32 $0x900, s16  }
0x40: {  	[tilespmem:s0], [sflag:$0x1] =	stream.linear.gather [hbm4b:s5+s2], $0x80, $0x38;
	[tilespmem:$0x18280] =	vst v63  }
0x41: {  	s1 =	sadd.s32 s3, s1;
	s0 =	sadd.s32 $0x980, s16  }
0x42: {  	[tilespmem:s0], [sflag:$0x1] =	stream.linear.gather [hbm4b:s1+s2], $0x80, $0x38;
	[tilespmem:$0x18280] =	vst v63  }
0x43: {  	v0 =	vld [tilespmem:s18+$0x0];
	_ =	sdelay $0x4  }
0x44: {  	v0 =	vshll.u32 v0, $0x4  }
0x45: {  	(v2sf) =	vpush v0, $0x0  }
0x46: {  	(v2sf) =	vpush v0, $0x1  }
0x47: {  	(v2sf) =	vpush v0, $0x2;
	_ =	sdelay $0x1  }
0x48: {  	(v2sf) =	vpush v0, $0x4  }
.Ltmp0:
0x49: {  	(pc) =	sbr.rel @p0 .LBB2_2-.Ltmp0, $3  }
0x4a: {  	(v2sf) =	vpush v0, $0x3  }
0x4b: {  	(v2sf) =	vpush v0, $0x5;
	_ =	sdelay $0x1  }
0x4c: {  	s16 =	sshra.s32 s19, $0x2;
	(v2sf) =	vpush v0, $0x6  }
0x4d: {  	_ =	sdelay $0x1  }
0x4e: {  	s0 =	sadd.s32 $0x280, s16;
	s19 =	sadd.s32 $0x780, s16  }
0x4f: {  	s1 =	sadd.s32 $0x580, s16;
	s17 =	sadd.s32 $0x800, s16;
	(v2sf) =	vpush v0, $0x7;
	s5 =	sadd.s32 $0x480, s16  }
0x50: {  	s10 =	sadd.s32 $0x600, s16;
	s18 =	sadd.s32 $0x880, s16;
	s14 =	sadd.s32 $0x200, s16  }
0x51: {  	s20 =	sadd.s32 $0x400, s16;
	s21 =	sadd.s32 $0x500, s16;
	(v2sf) =	vpush v0, $0x8;
	s22 =	spop (v2sf)  }
0x52: {  	s23 =	sadd.s32 $0x300, s16;
	s22 =	sand.u32 $0x1FFFFFF0, s22;
	s24 =	spop (v2sf)  }
0x53: {  	(v2sf) =	vpush v0, $0x9;
	s22 =	sadd.s32 s3, s22;
	s24 =	sand.u32 $0x1FFFFFF0, s24;
	s25 =	spop (v2sf)  }
0x54: {  	[tilespmem:s14], [sflag:$0x1] =	stream.linear.gather [hbm4b:s22+s2], $0x80, $0x38;
	[tilespmem:$0x18280] =	vst v63  }
0x55: {  	s26 =	sadd.s32 $0x380, s16;
	(v2sf) =	vpush v0, $0xA;
	s30 =	sadd.s32 s3, s24;
	s31 =	spop (v2sf)  }
0x56: {  	[tilespmem:s0], [sflag:$0x1] =	stream.linear.gather [hbm4b:s30+s2], $0x80, $0x38;
	[tilespmem:$0x18280] =	vst v63  }
0x57: {  	s14 =	sadd.s32 $0x700, s16;
	s28 =	sand.u32 $0x1FFFFFF0, s25;
	(v2sf) =	vpush v0, $0xB;
	s29 =	spop (v2sf)  }
0x58: {  	s22 =	sadd.s32 s3, s28;
	s0 =	sadd.s32 $0x680, s16;
	s25 =	sand.u32 $0x1FFFFFF0, s29  }
0x59: {  	(v2sf) =	vpush v0, $0xC;
	[tilespmem:s23], [sflag:$0x1] =	stream.linear.gather [hbm4b:s22+s2], $0x80, $0x38;
	[tilespmem:$0x18280] =	vst v63  }
0x5a: {  	s30 =	sand.u32 $0x1FFFFFF0, s31;
	s31 =	spop (v2sf);
	s28 =	sadd.s32 s3, s25  }
0x5b: {  	(v2sf) =	vpush v0, $0xD;
	[tilespmem:s26], [sflag:$0x1] =	stream.linear.gather [hbm4b:s28+s2], $0x80, $0x38;
	[tilespmem:$0x18280] =	vst v63  }
0x5c: {  	s22 =	sadd.s32 s3, s30;
	s23 =	sand.u32 $0x1FFFFFF0, s31;
	s29 =	spop (v2sf)  }
0x5d: {  	(v2sf) =	vpush v0, $0xE;
	[tilespmem:s20], [sflag:$0x1] =	stream.linear.gather [hbm4b:s22+s2], $0x80, $0x38;
	[tilespmem:$0x18280] =	vst v63  }
0x5e: {  	s23 =	sadd.s32 s3, s23;
	s30 =	sand.u32 $0x1FFFFFF0, s29;
	s31 =	spop (v2sf)  }
0x5f: {  	(v2sf) =	vpush v0, $0xF;
	[tilespmem:s5], [sflag:$0x1] =	stream.linear.gather [hbm4b:s23+s2], $0x80, $0x38;
	[tilespmem:$0x18280] =	vst v63  }
0x60: {  	s24 =	sand.u32 $0x1FFFFFF0, s31;
	s25 =	spop (v2sf);
	s20 =	sadd.s32 s3, s30  }
0x61: {  	[tilespmem:s21], [sflag:$0x1] =	stream.linear.gather [hbm4b:s20+s2], $0x80, $0x38;
	[tilespmem:$0x18280] =	vst v63  }
0x62: {  	s26 =	sand.u32 $0x1FFFFFF0, s25;
	s5 =	sadd.s32 s3, s24;
	s28 =	spop (v2sf)  }
0x63: {  	[tilespmem:s1], [sflag:$0x1] =	stream.linear.gather [hbm4b:s5+s2], $0x80, $0x38;
	[tilespmem:$0x18280] =	vst v63  }
0x64: {  	s20 =	sadd.s32 s3, s26;
	s29 =	sand.u32 $0x1FFFFFF0, s28;
	s30 =	spop (v2sf)  }
0x65: {  	[tilespmem:s10], [sflag:$0x1] =	stream.linear.gather [hbm4b:s20+s2], $0x80, $0x38;
	[tilespmem:$0x18280] =	vst v63  }
0x66: {  	s5 =	sand.u32 $0x1FFFFFF0, s30;
	s1 =	sadd.s32 s3, s29;
	s31 =	spop (v2sf)  }
0x67: {  	[tilespmem:s0], [sflag:$0x1] =	stream.linear.gather [hbm4b:s1+s2], $0x80, $0x38;
	[tilespmem:$0x18280] =	vst v63  }
0x68: {  	s5 =	sadd.s32 s3, s5;
	s10 =	sand.u32 $0x1FFFFFF0, s31;
	s20 =	spop (v2sf)  }
0x69: {  	[tilespmem:s14], [sflag:$0x1] =	stream.linear.gather [hbm4b:s5+s2], $0x80, $0x38;
	[tilespmem:$0x18280] =	vst v63  }
0x6a: {  	s0 =	sadd.s32 s3, s10;
	s1 =	sand.u32 $0x1FFFFFF0, s20;
	s21 =	spop (v2sf)  }
0x6b: {  	[tilespmem:s19], [sflag:$0x1] =	stream.linear.gather [hbm4b:s0+s2], $0x80, $0x38;
	[tilespmem:$0x18280] =	vst v63  }
0x6c: {  	s22 =	sand.u32 $0x1FFFFFF0, s21;
	s1 =	sadd.s32 s3, s1;
	s23 =	spop (v2sf)  }
0x6d: {  	[tilespmem:s17], [sflag:$0x1] =	stream.linear.gather [hbm4b:s1+s2], $0x80, $0x38;
	[tilespmem:$0x18280] =	vst v63  }
0x6e: {  	s24 =	sand.u32 $0x1FFFFFF0, s23;
	s25 =	spop (v2sf);
	s0 =	sadd.s32 s3, s22  }
0x6f: {  	[tilespmem:s18], [sflag:$0x1] =	stream.linear.gather [hbm4b:s0+s2], $0x80, $0x38;
	[tilespmem:$0x18280] =	vst v63  }
0x70: {  	s28 =	sadd.s32 $0x900, s16;
	s26 =	sand.u32 $0x1FFFFFF0, s25;
	s1 =	sadd.s32 s3, s24  }
0x71: {  	[tilespmem:s28], [sflag:$0x1] =	stream.linear.gather [hbm4b:s1+s2], $0x80, $0x38;
	[tilespmem:$0x18280] =	vst v63  }
0x72: {  	s29 =	sadd.s32 $0x980, s16;
	s16 =	simm.s32 $0x0;
	s0 =	sadd.s32 s3, s26  }
0x73: {  	[tilespmem:s29], [sflag:$0x1] =	stream.linear.gather [hbm4b:s0+s2], $0x80, $0x38;
	[tilespmem:$0x18280] =	vst v63  }
0x74: {  	s30 =	simm.s32 $0x10200;
	s31 =	sand.u32 $0xF0, s16  }
0x75: {  	[tilespmem:s30], [sflag:$0x3] =	stream.linear.gather [hbm4b:s4+s16], $0x8000, $0x38;
	[tilespmem:$0x18280] =	vst v63  }
0x76: {  	v0 =	vld [tilespmem:s31+$0x100];
	_ =	sdelay $0x4  }
0x77: {  	v0 =	vshll.u32 v0, $0x4  }
0x78: {  	(v2sf) =	vpush v0, $0x0  }
0x79: {  	(v2sf) =	vpush v0, $0x2  }
0x7a: {  	(v2sf) =	vpush v0, $0x1;
	_ =	sdelay $0x1  }
0x7b: {  	(v2sf) =	vpush v0, $0x3  }
0x7c: {  	(v2sf) =	vpush v0, $0x4;
	_ =	sdelay $0x2  }
0x7d: {  	s17 =	simm.s32 $0x2000;
	s18 =	simm.s32 $0x10  }
.LBB2_4:
0x7e: {  	p0 =	sne.s32 s17, $0x1E000;
	(v2sf) =	vpush v0, $0x5;
	s0 =	smov.u32 s17;
	s17 =	sadd.s32 $0x2000, s17  }
0x7f: {  	s19 =	sshra.s32 s16, $0x2;
	s16 =	smov.u32 s0  }
0x80: {  	s0 =	sadd.s32 $0x8280, s19;
	(v2sf) =	vpush v0, $0x6  }
0x81: {  	s1 =	sadd.s32 $0x8200, s19  }
0x82: {  	s22 =	sadd.s32 $0x8780, s19;
	s21 =	sadd.s32 $0x8800, s19;
	s20 =	sadd.s32 $0x8880, s19;
	(v2sf) =	vpush v0, $0x7  }
0x83: {  	s25 =	sadd.s32 $0x8600, s19;
	s24 =	sadd.s32 $0x8680, s19;
	s23 =	sadd.s32 $0x8700, s19  }
0x84: {  	s5 =	sadd.s32 $0x8500, s19;
	s26 =	sadd.s32 $0x8580, s19;
	s10 =	spop (v2sf);
	(v2sf) =	vpush v0, $0x8  }
0x85: {  	s14 =	sadd.s32 $0x8300, s19;
	s10 =	sand.u32 $0x1FFFFFF0, s10;
	s28 =	spop (v2sf)  }
0x86: {  	s29 =	sadd.s32 $0x8480, s19;
	s10 =	sadd.s32 s3, s10;
	s30 =	spop (v2sf);
	(v2sf) =	vpush v0, $0x9  }
0x87: {  	[tilespmem:s1], [sflag:$0x2] =	stream.linear.gather [hbm4b:s10+s2], $0x80, $0x38;
	[tilespmem:$0x18280] =	vst v63  }
0x88: {  	s1 =	sand.u32 $0x1FFFFFF0, s30;
	s10 =	sand.u32 $0x1FFFFFF0, s28;
	s28 =	spop (v2sf);
	(v2sf) =	vpush v0, $0xA  }
0x89: {  	s30 =	sadd.s32 $0x8400, s19;
	s1 =	sadd.s32 s3, s1;
	s31 =	spop (v2sf)  }
0x8a: {  	[tilespmem:s0], [sflag:$0x2] =	stream.linear.gather [hbm4b:s1+s2], $0x80, $0x38;
	(v2sf) =	vpush v0, $0xB;
	[tilespmem:$0x18280] =	vst v63  }
0x8b: {  	s0 =	sadd.s32 s3, s10;
	s1 =	sand.u32 $0x1FFFFFF0, s28;
	s10 =	sand.u32 $0x1FFFFFF0, s31  }
0x8c: {  	[tilespmem:s14], [sflag:$0x2] =	stream.linear.gather [hbm4b:s0+s2], $0x80, $0x38;
	(v2sf) =	vpush v0, $0xC;
	[tilespmem:$0x18280] =	vst v63  }
0x8d: {  	s1 =	sadd.s32 s3, s1;
	s0 =	sadd.s32 $0x8380, s19;
	s14 =	spop (v2sf)  }
0x8e: {  	[tilespmem:s0], [sflag:$0x2] =	stream.linear.gather [hbm4b:s1+s2], $0x80, $0x38;
	(v2sf) =	vpush v0, $0xD;
	[tilespmem:$0x18280] =	vst v63  }
0x8f: {  	s0 =	sadd.s32 s3, s10;
	s1 =	sand.u32 $0x1FFFFFF0, s14;
	s10 =	spop (v2sf)  }
0x90: {  	[tilespmem:s30], [sflag:$0x2] =	stream.linear.gather [hbm4b:s0+s2], $0x80, $0x38;
	(v2sf) =	vpush v0, $0xE;
	[tilespmem:$0x18280] =	vst v63  }
0x91: {  	s0 =	sadd.s32 s3, s1;
	s1 =	sand.u32 $0x1FFFFFF0, s10;
	s10 =	spop (v2sf)  }
0x92: {  	[tilespmem:s29], [sflag:$0x2] =	stream.linear.gather [hbm4b:s0+s2], $0x80, $0x38;
	(v2sf) =	vpush v0, $0xF;
	[tilespmem:$0x18280] =	vst v63  }
0x93: {  	s0 =	sadd.s32 s3, s1;
	s1 =	sand.u32 $0x1FFFFFF0, s10;
	s10 =	spop (v2sf)  }
0x94: {  	[tilespmem:s5], [sflag:$0x2] =	stream.linear.gather [hbm4b:s0+s2], $0x80, $0x38;
	[tilespmem:$0x18280] =	vst v63  }
0x95: {  	s0 =	sadd.s32 s3, s1;
	s1 =	sand.u32 $0x1FFFFFF0, s10;
	s5 =	spop (v2sf)  }
0x96: {  	[tilespmem:s26], [sflag:$0x2] =	stream.linear.gather [hbm4b:s0+s2], $0x80, $0x38;
	[tilespmem:$0x18280] =	vst v63  }
0x97: {  	s0 =	sadd.s32 s3, s1;
	s1 =	sand.u32 $0x1FFFFFF0, s5;
	s5 =	spop (v2sf)  }
0x98: {  	[tilespmem:s25], [sflag:$0x2] =	stream.linear.gather [hbm4b:s0+s2], $0x80, $0x38;
	[tilespmem:$0x18280] =	vst v63  }
0x99: {  	s0 =	sadd.s32 s3, s1;
	s1 =	sand.u32 $0x1FFFFFF0, s5;
	s5 =	spop (v2sf)  }
0x9a: {  	[tilespmem:s24], [sflag:$0x2] =	stream.linear.gather [hbm4b:s0+s2], $0x80, $0x38;
	[tilespmem:$0x18280] =	vst v63  }
0x9b: {  	s0 =	sadd.s32 s3, s1;
	s1 =	sand.u32 $0x1FFFFFF0, s5;
	s5 =	spop (v2sf)  }
0x9c: {  	[tilespmem:s23], [sflag:$0x2] =	stream.linear.gather [hbm4b:s0+s2], $0x80, $0x38;
	[tilespmem:$0x18280] =	vst v63  }
0x9d: {  	s0 =	sadd.s32 s3, s1;
	s1 =	sand.u32 $0x1FFFFFF0, s5;
	s5 =	spop (v2sf)  }
0x9e: {  	[tilespmem:s22], [sflag:$0x2] =	stream.linear.gather [hbm4b:s0+s2], $0x80, $0x38;
	[tilespmem:$0x18280] =	vst v63  }
0x9f: {  	s0 =	sadd.s32 s3, s1;
	s1 =	sand.u32 $0x1FFFFFF0, s5;
	s5 =	spop (v2sf)  }
0xa0: {  	[tilespmem:s21], [sflag:$0x2] =	stream.linear.gather [hbm4b:s0+s2], $0x80, $0x38;
	[tilespmem:$0x18280] =	vst v63  }
0xa1: {  	s0 =	sadd.s32 s3, s1;
	s1 =	sand.u32 $0x1FFFFFF0, s5;
	s5 =	spop (v2sf)  }
0xa2: {  	[tilespmem:s20], [sflag:$0x2] =	stream.linear.gather [hbm4b:s0+s2], $0x80, $0x38;
	[tilespmem:$0x18280] =	vst v63  }
0xa3: {  	s1 =	sadd.s32 s3, s1;
	s0 =	sadd.s32 $0x8900, s19;
	s5 =	sand.u32 $0x1FFFFFF0, s5  }
0xa4: {  	[tilespmem:s0], [sflag:$0x2] =	stream.linear.gather [hbm4b:s1+s2], $0x80, $0x38;
	[tilespmem:$0x18280] =	vst v63  }
0xa5: {  	s5 =	sadd.s32 s3, s5;
	s0 =	sand.u32 $0xF0, s18;
	s1 =	sadd.s32 $0x8980, s19  }
0xa6: {  	[tilespmem:s1], [sflag:$0x2] =	stream.linear.gather [hbm4b:s5+s2], $0x80, $0x38;
	[tilespmem:$0x18280] =	vst v63  }
0xa7: {  	v0 =	vld [tilespmem:s0+$0x100];
	_ =	sdelay $0x4  }
0xa8: {  	v0 =	vshll.u32 v0, $0x4  }
0xa9: {  	(v2sf) =	vpush v0, $0x0  }
0xaa: {  	(v2sf) =	vpush v0, $0x2  }
0xab: {  	(v2sf) =	vpush v0, $0x1;
	_ =	sdelay $0x1  }
.Ltmp1:
0xac: {  	(v2sf) =	vpush v0, $0x3;
	(pc) =	sbr.rel @p0 .LBB2_4-.Ltmp1, $2  }
0xad: {  	(v2sf) =	vpush v0, $0x4;
	_ =	sdelay $0x2  }
0xae: {  	s18 =	sadd.s32 $0x10, s18  }
0xaf: {  	(v2sf) =	vpush v0, $0x5;
	_ =	sdelay $0x1  }
0xb0: {  	s16 =	sshra.s32 s16, $0x2;
	(v2sf) =	vpush v0, $0x6  }
0xb1: {  	s0 =	sadd.s32 $0x8280, s16;
	s1 =	sadd.s32 $0x8200, s16  }
0xb2: {  	s19 =	sadd.s32 $0x8780, s16;
	s18 =	sadd.s32 $0x8800, s16;
	s17 =	sadd.s32 $0x8880, s16;
	(v2sf) =	vpush v0, $0x7  }
0xb3: {  	s5 =	sadd.s32 $0x8600, s16;
	s10 =	sadd.s32 $0x8680, s16;
	s14 =	sadd.s32 $0x8700, s16  }
0xb4: {  	s20 =	sadd.s32 $0x8500, s16;
	s21 =	sadd.s32 $0x8580, s16;
	s22 =	spop (v2sf);
	(v2sf) =	vpush v0, $0x8  }
0xb5: {  	s23 =	sadd.s32 $0x8300, s16;
	s22 =	sand.u32 $0x1FFFFFF0, s22;
	s24 =	spop (v2sf)  }
0xb6: {  	s25 =	sadd.s32 $0x8480, s16;
	s22 =	sadd.s32 s3, s22;
	s26 =	spop (v2sf);
	(v2sf) =	vpush v0, $0x9  }
0xb7: {  	[tilespmem:s1], [sflag:$0x2] =	stream.linear.gather [hbm4b:s22+s2], $0x80, $0x38;
	[tilespmem:$0x18280] =	vst v63  }
0xb8: {  	s30 =	sand.u32 $0x1FFFFFF0, s24;
	s29 =	sand.u32 $0x1FFFFFF0, s26;
	s31 =	spop (v2sf);
	(v2sf) =	vpush v0, $0xA  }
0xb9: {  	s24 =	sadd.s32 $0x8380, s16;
	s1 =	sadd.s32 s3, s29;
	s28 =	spop (v2sf)  }
0xba: {  	[tilespmem:s0], [sflag:$0x2] =	stream.linear.gather [hbm4b:s1+s2], $0x80, $0x38;
	(v2sf) =	vpush v0, $0xB;
	[tilespmem:$0x18280] =	vst v63  }
0xbb: {  	s26 =	sadd.s32 $0x8400, s16;
	s29 =	sadd.s32 s3, s30;
	s30 =	sand.u32 $0x1FFFFFF0, s31  }
0xbc: {  	(v2sf) =	vpush v0, $0xC;
	[tilespmem:s23], [sflag:$0x2] =	stream.linear.gather [hbm4b:s29+s2], $0x80, $0x38;
	[tilespmem:$0x18280] =	vst v63  }
0xbd: {  	s31 =	sand.u32 $0x1FFFFFF0, s28;
	s1 =	sadd.s32 s3, s30;
	s28 =	spop (v2sf)  }
0xbe: {  	[tilespmem:s24], [sflag:$0x2] =	stream.linear.gather [hbm4b:s1+s2], $0x80, $0x38;
	(v2sf) =	vpush v0, $0xD;
	[tilespmem:$0x18280] =	vst v63  }
0xbf: {  	s29 =	sadd.s32 s3, s31;
	s30 =	sand.u32 $0x1FFFFFF0, s28;
	s31 =	spop (v2sf)  }
0xc0: {  	(v2sf) =	vpush v0, $0xE;
	[tilespmem:s26], [sflag:$0x2] =	stream.linear.gather [hbm4b:s29+s2], $0x80, $0x38;
	[tilespmem:$0x18280] =	vst v63  }
0xc1: {  	s1 =	sadd.s32 s3, s30;
	s23 =	sand.u32 $0x1FFFFFF0, s31;
	s24 =	spop (v2sf)  }
0xc2: {  	(v2sf) =	vpush v0, $0xF;
	[tilespmem:s25], [sflag:$0x2] =	stream.linear.gather [hbm4b:s1+s2], $0x80, $0x38;
	[tilespmem:$0x18280] =	vst v63  }
0xc3: {  	s26 =	sand.u32 $0x1FFFFFF0, s24;
	s25 =	sadd.s32 s3, s23;
	s28 =	spop (v2sf)  }
0xc4: {  	[tilespmem:s20], [sflag:$0x2] =	stream.linear.gather [hbm4b:s25+s2], $0x80, $0x38;
	[tilespmem:$0x18280] =	vst v63  }
0xc5: {  	s29 =	sadd.s32 s3, s26;
	s30 =	sand.u32 $0x1FFFFFF0, s28;
	s31 =	spop (v2sf)  }
0xc6: {  	[tilespmem:s21], [sflag:$0x2] =	stream.linear.gather [hbm4b:s29+s2], $0x80, $0x38;
	[tilespmem:$0x18280] =	vst v63  }
0xc7: {  	s22 =	sadd.s32 s3, s30;
	s23 =	sand.u32 $0x1FFFFFF0, s31;
	s24 =	spop (v2sf)  }
0xc8: {  	[tilespmem:s5], [sflag:$0x2] =	stream.linear.gather [hbm4b:s22+s2], $0x80, $0x38;
	[tilespmem:$0x18280] =	vst v63  }
0xc9: {  	s25 =	sadd.s32 s3, s23;
	s26 =	sand.u32 $0x1FFFFFF0, s24;
	s28 =	spop (v2sf)  }
0xca: {  	[tilespmem:s10], [sflag:$0x2] =	stream.linear.gather [hbm4b:s25+s2], $0x80, $0x38;
	[tilespmem:$0x18280] =	vst v63  }
0xcb: {  	s29 =	sadd.s32 s3, s26;
	s30 =	sand.u32 $0x1FFFFFF0, s28;
	s31 =	spop (v2sf)  }
0xcc: {  	[tilespmem:s14], [sflag:$0x2] =	stream.linear.gather [hbm4b:s29+s2], $0x80, $0x38;
	[tilespmem:$0x18280] =	vst v63  }
0xcd: {  	s10 =	sadd.s32 s3, s30;
	s14 =	sand.u32 $0x1FFFFFF0, s31;
	s20 =	spop (v2sf)  }
0xce: {  	[tilespmem:s19], [sflag:$0x2] =	stream.linear.gather [hbm4b:s10+s2], $0x80, $0x38;
	[tilespmem:$0x18280] =	vst v63  }
0xcf: {  	s21 =	sadd.s32 s3, s14;
	s22 =	sand.u32 $0x1FFFFFF0, s20;
	s23 =	spop (v2sf)  }
0xd0: {  	[tilespmem:s18], [sflag:$0x2] =	stream.linear.gather [hbm4b:s21+s2], $0x80, $0x38;
	[tilespmem:$0x18280] =	vst v63  }
0xd1: {  	s24 =	sadd.s32 s3, s22;
	s25 =	sand.u32 $0x1FFFFFF0, s23;
	s26 =	spop (v2sf)  }
0xd2: {  	[tilespmem:s17], [sflag:$0x2] =	stream.linear.gather [hbm4b:s24+s2], $0x80, $0x38;
	[tilespmem:$0x18280] =	vst v63  }
0xd3: {  	s28 =	sadd.s32 $0x8900, s16;
	s1 =	sadd.s32 s3, s25;
	s5 =	sand.u32 $0x1FFFFFF0, s26  }
0xd4: {  	[tilespmem:s28], [sflag:$0x2] =	stream.linear.gather [hbm4b:s1+s2], $0x80, $0x38;
	[tilespmem:$0x18280] =	vst v63  }
0xd5: {  	s29 =	sadd.s32 $0x8980, s16;
	s30 =	sadd.s32 s3, s5  }
0xd6: {  	[tilespmem:s29], [sflag:$0x2] =	stream.linear.gather [hbm4b:s30+s2], $0x80, $0x38;
	[tilespmem:$0x18280] =	vst v63  }
0xd7: {  	_ =	swait.ge [sflag:s11], $0x8000  }
0xd8: {  	[sflag:s11] =	ssyncset.done $0x0  }
0xd9: {  	[sflag:s11] =	ssyncadd.s32 $0xFFFF8000  }
0xda: {  	_ =	swait.ge [sflag:s12], $0x8000  }
0xdb: {  	[sflag:s12] =	ssyncset.done $0x0  }
0xdc: {  	s31 =	simm.s32 $0x0;
	[sflag:s12] =	ssyncadd.s32 $0xFFFF8000  }
0xdd: {  	v0 =	vld [tilespmem:s31+$0x10230]  }
0xde: {  	v1 =	vld [tilespmem:s31+$0x230]  }
0xdf: {  	v5 =	vld [tilespmem:s31+$0x10200]  }
0xe0: {  	v6 =	vld [tilespmem:s31+$0x200];
	_ =	sdelay $0x1  }
0xe1: {  	v4 =	vld [tilespmem:s31+$0x10210]  }
0xe2: {  	v7 =	vld [tilespmem:s31+$0x210]  }
0xe3: {  	v3 =	vld [tilespmem:s31+$0x10220];
	v0 =	vsub.f32 v0, v1  }
0xe4: {  	v2 =	vimm.f32 $0.0e+00;
	s16 =	simm.s32 $0x80;
	v8 =	vld [tilespmem:s31+$0x220];
	v10 =	vsub.f32 v5, v6;
	v5 =	vimm.f32 $0.0e+00  }
0xe5: {  	s17 =	simm.s32 $0x400;
	v6 =	vld [tilespmem:s16+$0x10230];
	v1 =	vimm.f32 $0.0e+00;
	v9 =	vmul.f32 v0, v0;
	v0 =	vimm.f32 $0.0e+00  }
.LBB2_6:
0xe6: {  	p0 =	sne.s32 s17, $0x1FE00;
	v11 =	vld [tilespmem:s16+$0x230]  }
0xe7: {  	v12 =	vld [tilespmem:s16+$0x10200];
	v10 =	vmul.f32 v10, v10;
	v7 =	vsub.f32 v4, v7;
	v2 =	vadd.f32 v9, v2  }
0xe8: {  	v9 =	vld [tilespmem:s16+$0x200]  }
.Ltmp2:
0xe9: {  	v4 =	vld [tilespmem:s16+$0x10210];
	v5 =	vadd.f32 v10, v5;
	v10 =	vmul.f32 v7, v7;
	v8 =	vsub.f32 v3, v8;
	(pc) =	sbr.rel @p0 .LBB2_6-.Ltmp2, $4  }
0xea: {  	v7 =	vld [tilespmem:s16+$0x210]  }
0xeb: {  	v3 =	vld [tilespmem:s16+$0x10220];
	v11 =	vsub.f32 v6, v11;
	v1 =	vadd.f32 v10, v1;
	v13 =	vmul.f32 v8, v8  }
0xec: {  	v8 =	vld [tilespmem:s16+$0x220];
	s16 =	sshra.s32 s17, $0x2  }
0xed: {  	s17 =	sadd.s32 $0x200, s17;
	v6 =	vld [tilespmem:s16+$0x10230];
	v10 =	vsub.f32 v12, v9;
	v9 =	vmul.f32 v11, v11;
	v0 =	vadd.f32 v13, v0  }
0xee: {  	v11 =	vld [tilespmem:s16+$0x230]  }
0xef: {  	v12 =	vld [tilespmem:s16+$0x10200]  }
0xf0: {  	v13 =	vld [tilespmem:s16+$0x200]  }
0xf1: {  	v14 =	vld [tilespmem:s16+$0x10210]  }
0xf2: {  	v15 =	vld [tilespmem:s16+$0x210]  }
0xf3: {  	v16 =	vld [tilespmem:s16+$0x10220];
	s0 =	simm.s32 $0x0;
	s1 =	simm.s32 $0x10200  }
0xf4: {  	v17 =	vld [tilespmem:s16+$0x220];
	[tilespmem:s1], [sflag:$0x3] =	stream.linear.gather [hbm4b:s6+s0], $0x8000, $0x38  }
0xf5: {  	_ =	swait.ge [sflag:s13], $0x8000  }
0xf6: {  	[sflag:s13] =	ssyncset.done $0x0  }
0xf7: {  	[sflag:s13] =	ssyncadd.s32 $0xFFFF8000  }
0xf8: {  	_ =	swait.ge [sflag:s12], $0x8000  }
0xf9: {  	[sflag:s12] =	ssyncset.done $0x0  }
0xfa: {  	s31 =	simm.s32 $0x0;
	[sflag:s12] =	ssyncadd.s32 $0xFFFF8000  }
0xfb: {  	v10 =	vmul.f32 v10, v10;
	v4 =	vsub.f32 v4, v7;
	v18 =	vld [tilespmem:s31+$0x10230]  }
0xfc: {  	v2 =	vadd.f32 v9, v2;
	v3 =	vsub.f32 v3, v8;
	v8 =	vld [tilespmem:s31+$0x8230]  }
0xfd: {  	v5 =	vadd.f32 v10, v5;
	v4 =	vmul.f32 v4, v4;
	v6 =	vsub.f32 v6, v11;
	v9 =	vld [tilespmem:s31+$0x10200]  }
0xfe: {  	v7 =	vsub.f32 v12, v13;
	v3 =	vmul.f32 v3, v3;
	v10 =	vsub.f32 v14, v15;
	v11 =	vld [tilespmem:s31+$0x8200]  }
0xff: {  	v1 =	vadd.f32 v4, v1;
	v61 =	vsub.f32 v16, v17;
	v6 =	vmul.f32 v6, v6;
	v4 =	vld [tilespmem:s31+$0x10210]  }
0x100: {  	v62 =	vadd.f32 v3, v0;
	v3 =	vmul.f32 v7, v7;
	v10 =	vmul.f32 v10, v10;
	v7 =	vld [tilespmem:s31+$0x8210]  }
0x101: {  	v12 =	vmul.f32 v61, v61;
	v0 =	vadd.f32 v6, v2;
	v6 =	vld [tilespmem:s31+$0x10220];
	v63 =	vsub.f32 v18, v8  }
0x102: {  	s16 =	simm.s32 $0x80;
	v2 =	vadd.f32 v3, v5;
	v3 =	vadd.f32 v10, v1;
	v8 =	vld [tilespmem:s31+$0x8220]  }
0x103: {  	s17 =	simm.s32 $0x400;
	v1 =	vadd.f32 v12, v62;
	v5 =	vld [tilespmem:s16+$0x10230];
	v10 =	vsub.f32 v9, v11;
	v9 =	vmul.f32 v63, v63  }
.LBB2_8:
0x104: {  	p0 =	sne.s32 s17, $0x1FE00;
	v11 =	vld [tilespmem:s16+$0x8230]  }
0x105: {  	v12 =	vld [tilespmem:s16+$0x10200];
	v10 =	vmul.f32 v10, v10;
	v7 =	vsub.f32 v4, v7;
	v0 =	vadd.f32 v9, v0  }
0x106: {  	v9 =	vld [tilespmem:s16+$0x8200]  }
.Ltmp3:
0x107: {  	v4 =	vld [tilespmem:s16+$0x10210];
	v2 =	vadd.f32 v10, v2;
	v10 =	vmul.f32 v7, v7;
	v8 =	vsub.f32 v6, v8;
	(pc) =	sbr.rel @p0 .LBB2_8-.Ltmp3, $4  }
0x108: {  	v7 =	vld [tilespmem:s16+$0x8210]  }
0x109: {  	v6 =	vld [tilespmem:s16+$0x10220];
	v11 =	vsub.f32 v5, v11;
	v3 =	vadd.f32 v10, v3;
	v13 =	vmul.f32 v8, v8  }
0x10a: {  	v8 =	vld [tilespmem:s16+$0x8220];
	s16 =	sshra.s32 s17, $0x2  }
0x10b: {  	s17 =	sadd.s32 $0x200, s17;
	v5 =	vld [tilespmem:s16+$0x10230];
	v10 =	vsub.f32 v12, v9;
	v9 =	vmul.f32 v11, v11;
	v1 =	vadd.f32 v13, v1  }
0x10c: {  	v11 =	vld [tilespmem:s16+$0x10200]  }
0x10d: {  	v12 =	vld [tilespmem:s16+$0x8200]  }
0x10e: {  	v13 =	vld [tilespmem:s16+$0x10210]  }
0x10f: {  	v14 =	vld [tilespmem:s16+$0x8210]  }
0x110: {  	v15 =	vld [tilespmem:s16+$0x10220]  }
0x111: {  	v56 =	vld [tilespmem:s16+$0x8220];
	v4 =	vsub.f32 v4, v7  }
0x112: {  	v16 =	vld [tilespmem:s16+$0x8230]  }
0x113: {  	v57 =	vmul.f32 v10, v10;
	v6 =	vsub.f32 v6, v8;
	v4 =	vmul.f32 v4, v4  }
0x114: {  	v58 =	vsub.f32 v11, v12;
	v59 =	vsub.f32 v13, v14  }
0x115: {  	v2 =	vadd.f32 v57, v2;
	v3 =	vadd.f32 v4, v3;
	v60 =	vmul.f32 v6, v6  }
0x116: {  	v7 =	vsub.f32 v15, v56;
	v61 =	vmul.f32 v58, v58;
	v62 =	vmul.f32 v59, v59  }
0x117: {  	v5 =	vsub.f32 v5, v16;
	v1 =	vadd.f32 v60, v1  }
0x118: {  	v63 =	vmul.f32 v7, v7;
	v2 =	vadd.f32 v61, v2;
	v3 =	vadd.f32 v62, v3  }
0x119: {  	v0 =	vadd.f32 v9, v0  }
0x11a: {  	v5 =	vmul.f32 v5, v5;
	v1 =	vadd.f32 v63, v1;
	v2 =	vadd.f32 v3, v2;
	_ =	sdelay $0x1  }
0x11b: {  	v0 =	vadd.f32 v5, v0;
	v1 =	vadd.f32 v1, v2;
	_ =	sdelay $0x1  }
0x11c: {  	v0 =	vadd.f32 v0, v1;
	_ =	sdelay $0x1  }
0x11d: {  	s15 =	sadd.s32 $0x1, s15;
	v0 =	vmul.f32 $9.536743160e-07, v0  }
0x11e: {  	p0 =	sne.s32 s15, s8  }
.Ltmp4:
0x11f: {  	s0 =	simm.s32 $0x18200;
	[tilespmem:$0x18200] =	vst v0;
	(pc) =	sbr.rel @p0 .LBB2_1-.Ltmp4, $4  }
0x120: {  	[hbm4b:s7+s2] =	stream.linear.scatter [tilespmem:s0], [sflag:$0x4], $0x80, $0x38;
	[tilespmem:$0x18280] =	vst v63  }
0x121: {  	_ =	swait.ge [sflag:s9], $0x80  }
0x122: {  	[sflag:s9] =	ssyncset.done $0x0  }
0x123: {  	[sflag:s9] =	ssyncadd.s32 $0xFFFFFF80  }
0x124: {  	_ =	sfence.sel $0x180000  }
0x125: {  	[bflag:$0x0] =	sbarrier.arrive $0xFFFF  }
0x126: {  	_ =	strace $0x90000047  }
0x127: {  	s0 =	stileid.u32;
	[bflag:$0x2] =	sbarrier.arrive $0xFFFF  }
0x128: {  	p0 =	sne.s32 s0, $0x0;
	s0 =	rddreg [dreg:$0x2]  }
0x129: {  	s0 =	sadd.s32 @!p0 $0x100000, s0  }
0x12a: {  	[sflag:s0] =	ssyncadd.tile.s32 @!p0 $0x1;
	_ =	shalt  }
.Lfunc_end2:
_tile_overlayer_lowered:
.L_overlay_start_2:
0x12b: {  	(tag) =	ssettag $0x2  }
0x12c: {  	s0 =	rddreg [dreg:$0x0];
	s2 =	stileid.u32  }
0x12d: {  	s1 =	rddreg [dreg:$0x1];
	p0 =	sne.s32 s2, $0x0  }
0x12e: {  	s3 =	rddreg [dreg:$0x2];
	[bflag:$0x3] =	sbarrier.arrive $0xFFFF;
	s2 =	simm.s32 @!p0 $0x1C04  }
0x12f: {  	[timem:s3], [sflag:s2] =	dma.local @!p0 [hbm:s0], s1  }
0x130: {  	s0 =	simm.s32 @!p0 $0x4  }
0x131: {  	_ =	swait.ge @!p0 [sflag:s0], s1  }
0x132: {  	s1 =	ssub.s32 @!p0 $0x0, s1;
	[sflag:s0] =	ssyncset.done @!p0 $0x0  }
0x133: {  	[sflag:s0] =	ssyncadd.s32 @!p0 s1  }
0x134: {  	[bflag:$0x3] =	sbarrier.arrive $0xFFFF  }
0x135: {  	_ =	shalt  }

</sc_bundles>
